<compile_context>
chip_gen: v7x
topology: tpu7x:2x2x1
jax: 0.10.2.dev20260603
libtpu: 0.0.44.dev20260713+nightly
codegen_flags: <defaults>
</compile_context>

<pallas_src>
import functools

import jax
import jax.numpy as jnp
from jax import lax
from jax.experimental import pallas as pl
from jax.experimental.pallas import tpu as pltpu
from jax.experimental.pallas import tpu_sc as plsc

D_MODEL = 1024
BATCH = 4 * 8192
NUM_WORKERS = 32
B_PER_W = BATCH // NUM_WORKERS
CHUNK = 16
NCHUNK = B_PER_W // CHUNK
NBUF = 4
NOUTER = NCHUNK // NBUF
K_AHEAD = NBUF // 2

_mesh = plsc.VectorSubcoreMesh(core_axis_name="c", subcore_axis_name="s")


@functools.partial(
    pl.kernel,
    mesh=_mesh,
    out_type=jax.ShapeDtypeStruct((BATCH, D_MODEL), jnp.float32),
    scratch_types=[
        pltpu.VMEM((NCHUNK, CHUNK), jnp.int32),
        pltpu.VMEM((NBUF, CHUNK, D_MODEL), jnp.float32),
        [pltpu.SemaphoreType.DMA] * NBUF,
        [pltpu.SemaphoreType.DMA] * NBUF,
    ],
)
def _gather_kernel(t_hbm, pe_hbm, out_hbm, idx_v, rows_v, gsems, ssems):
    wid = lax.axis_index("s") * 2 + lax.axis_index("c")
    base = wid * B_PER_W
    pltpu.sync_copy(t_hbm.at[wid], idx_v)

    for c in range(K_AHEAD):
        pltpu.async_copy(pe_hbm.at[idx_v.at[c]], rows_v.at[c], gsems[c])

    def outer(i, _):
        for b in range(NBUF):
            c = i * NBUF + b
            pltpu.make_async_copy(
                pe_hbm.at[idx_v.at[0]], rows_v.at[b], gsems[b]).wait()
            pltpu.async_copy(
                rows_v.at[b], out_hbm.at[pl.ds(base + c * CHUNK, CHUNK)],
                ssems[b])

            b2 = (b + K_AHEAD) % NBUF
            c2 = c + K_AHEAD

            @pl.when(c2 < NCHUNK)
            def _():
                @pl.when(c2 >= NBUF)
                def _():
                    pltpu.make_async_copy(
                        rows_v.at[b2], out_hbm.at[pl.ds(base, CHUNK)],
                        ssems[b2]).wait()

                pltpu.async_copy(
                    pe_hbm.at[idx_v.at[c2]], rows_v.at[b2], gsems[b2])

        return ()

    lax.fori_loop(0, NOUTER, outer, (), unroll=False)

    for c in range(NCHUNK - NBUF + K_AHEAD, NCHUNK):
        b = c % NBUF
        pltpu.make_async_copy(
            rows_v.at[b], out_hbm.at[pl.ds(base, CHUNK)], ssems[b]).wait()


def kernel(t, pe):
    t_flat = t.reshape(NUM_WORKERS, NCHUNK, CHUNK)
    out = _gather_kernel(t_flat, pe)
    return out.reshape(t.shape + (D_MODEL,))

# --- scband reference (transcript-rebuilt; emitter-appended) ---
"""Pipeline reference for scband-positional-encoding-4157528342916 (READ-ONLY COPY).

The authoritative reference and input builder live on the scoring server;
editing this copy changes nothing except your own understanding.
"""

import jax, jax.numpy as jnp
import numpy as np

MAX_SEQ_LEN = 8192
D_MODEL = 1024


def _build_pe():
    i_seq = jnp.linspace(0.0, MAX_SEQ_LEN - 1, MAX_SEQ_LEN)
    j_seq = jnp.linspace(0.0, D_MODEL - 2, D_MODEL // 2)
    pos, two_i = jnp.meshgrid(i_seq, j_seq, indexing='ij')
    pe_2i = jnp.sin(pos / 10000 ** (two_i / D_MODEL))
    pe_2i_1 = jnp.cos(pos / 10000 ** (two_i / D_MODEL))
    pe = jnp.stack((pe_2i, pe_2i_1), 2).reshape(MAX_SEQ_LEN, D_MODEL)
    return pe.astype(jnp.float32)


def setup_inputs(seed: int = 0) -> dict:
    key = jax.random.key(seed)
    t = jax.random.randint(key, (4, 8192), 0, MAX_SEQ_LEN, dtype=jnp.int32)
    pe = _build_pe()
    return {"t": t, "pe": pe}


def reference(t, pe):
    # nn.Embedding lookup with frozen sinusoidal table -> row gather
    return jnp.take(pe, t, axis=0)

if __name__ == "__main__":
    import jax
    _d = setup_inputs()
    print(jax.jit(kernel)(*tuple(_d.values())))

</pallas_src>

<mosaic_0001>
#map = affine_map<(d0, d1) -> (0, 0, 0)>
#map1 = affine_map<(d0, d1) -> (0, 0)>
module attributes {stable_mosaic.version = 14 : i64} {
  func.func @_gather_kernel(%arg0: i32, %arg1: i32, %arg2: memref<32x64x16xi32, #tpu.memory_space<hbm>>, %arg3: memref<8192x1024xf32, #tpu.memory_space<hbm>>, %arg4: memref<32768x1024xf32, #tpu.memory_space<hbm>>, %arg5: memref<64x16xi32, #tpu.memory_space<vmem>>, %arg6: memref<4x16x1024xf32, #tpu.memory_space<vmem>>, %arg7: memref<!tpu.dma_semaphore, #tpu.memory_space<semaphore_mem>>, %arg8: memref<!tpu.dma_semaphore, #tpu.memory_space<semaphore_mem>>, %arg9: memref<!tpu.dma_semaphore, #tpu.memory_space<semaphore_mem>>, %arg10: memref<!tpu.dma_semaphore, #tpu.memory_space<semaphore_mem>>, %arg11: memref<!tpu.dma_semaphore, #tpu.memory_space<semaphore_mem>>, %arg12: memref<!tpu.dma_semaphore, #tpu.memory_space<semaphore_mem>>, %arg13: memref<!tpu.dma_semaphore, #tpu.memory_space<semaphore_mem>>, %arg14: memref<!tpu.dma_semaphore, #tpu.memory_space<semaphore_mem>>) attributes {dimension_semantics = [#tpu.dimension_semantics<core_parallel>, #tpu.dimension_semantics<subcore_parallel>], iteration_bounds = array<i64: 2, 16>, scalar_prefetch = 0 : i64, scratch_operands = 10 : i64, tpu.core_type = #tpu.core_type<sc_vector_subcore>, window_params = [{transform_indices = #map}, {transform_indices = #map1}, {transform_indices = #map1}]} {
    %mul3A = arith.constant 2 : i32
    %mul3A_0 = arith.muli %arg1, %mul3A : i32
    %add3A = arith.addi %mul3A_0, %arg0 : i32
    %mul3A_1 = arith.constant 1024 : i32
    %mul3A_2 = arith.muli %add3A, %mul3A_1 : i32
    "tpu.region"() ({
      %run_scoped3A = tpu.sem_alloc : memref<!tpu.dma_semaphore, #tpu.memory_space<semaphore_mem>>
      %dma_start3A_55 = arith.constant 0 : i32
      %dma_start3A_56 = arith.constant 0 : i32
      %dma_start3A_57 = tpu.memref_slice %arg2[%add3A, %dma_start3A_55, %dma_start3A_56] : memref<32x64x16xi32, #tpu.memory_space<hbm>> -> memref<1x64x16xi32, #tpu.memory_space<hbm>>
      %dma_start3A_58 = tpu.memref_squeeze %dma_start3A_57 : memref<1x64x16xi32, #tpu.memory_space<hbm>> -> memref<64x16xi32, #tpu.memory_space<hbm>>
      %dma_start3A_59 = arith.constant 0 : i32
      %dma_start3A_60 = arith.constant 0 : i32
      %dma_start3A_61 = tpu.memref_slice %arg2[%add3A, %dma_start3A_59, %dma_start3A_60] : memref<32x64x16xi32, #tpu.memory_space<hbm>> -> memref<1x64x16xi32, #tpu.memory_space<hbm>>
      %dma_start3A_62 = tpu.memref_squeeze %dma_start3A_61 : memref<1x64x16xi32, #tpu.memory_space<hbm>> -> memref<64x16xi32, #tpu.memory_space<hbm>>
      tpu.enqueue_dma source(%dma_start3A_62 : memref<64x16xi32, #tpu.memory_space<hbm>>) target(%arg5 : memref<64x16xi32, #tpu.memory_space<vmem>>) target_semaphore(%run_scoped3A : memref<!tpu.dma_semaphore, #tpu.memory_space<semaphore_mem>>)
      %dma_wait3A_63 = arith.constant 0 : i32
      %dma_wait3A_64 = arith.constant 0 : i32
      %dma_wait3A_65 = tpu.memref_slice %arg2[%add3A, %dma_wait3A_63, %dma_wait3A_64] : memref<32x64x16xi32, #tpu.memory_space<hbm>> -> memref<1x64x16xi32, #tpu.memory_space<hbm>>
      %dma_wait3A_66 = tpu.memref_squeeze %dma_wait3A_65 : memref<1x64x16xi32, #tpu.memory_space<hbm>> -> memref<64x16xi32, #tpu.memory_space<hbm>>
      %dma_wait3A_67 = arith.constant 0 : i32
      %dma_wait3A_68 = arith.constant 0 : i32
      %dma_wait3A_69 = tpu.memref_slice %arg2[%add3A, %dma_wait3A_67, %dma_wait3A_68] : memref<32x64x16xi32, #tpu.memory_space<hbm>> -> memref<1x64x16xi32, #tpu.memory_space<hbm>>
      %dma_wait3A_70 = tpu.memref_squeeze %dma_wait3A_69 : memref<1x64x16xi32, #tpu.memory_space<hbm>> -> memref<64x16xi32, #tpu.memory_space<hbm>>
      tpu.wait_dma2 semaphore(%run_scoped3A : memref<!tpu.dma_semaphore, #tpu.memory_space<semaphore_mem>>) src(%dma_wait3A_70 : memref<64x16xi32, #tpu.memory_space<hbm>>) dst(%arg5 : memref<64x16xi32, #tpu.memory_space<vmem>>)
      tpu.yield
    }) : () -> ()
    %dma_start3A = arith.constant 0 : i32
    %dma_start3A_3 = arith.constant 0 : i32
    %dma_start3A_4 = arith.constant 0 : i32
    %dma_start3A_5 = arith.constant 0 : i32
    %dma_start3A_6 = tpu.memref_slice %arg6[%dma_start3A_3, %dma_start3A_4, %dma_start3A_5] : memref<4x16x1024xf32, #tpu.memory_space<vmem>> -> memref<1x16x1024xf32, #tpu.memory_space<vmem>>
    %dma_start3A_7 = tpu.memref_squeeze %dma_start3A_6 : memref<1x16x1024xf32, #tpu.memory_space<vmem>> -> memref<16x1024xf32, #tpu.memory_space<vmem>>
    %dma_start3A_8 = arith.constant 0 : i32
    %dma_start3A_9 = tpu.memref_slice %arg5[%dma_start3A, %dma_start3A_8] : memref<64x16xi32, #tpu.memory_space<vmem>> -> memref<1x16xi32, #tpu.memory_space<vmem>>
    %dma_start3A_10 = tpu.memref_squeeze %dma_start3A_9 : memref<1x16xi32, #tpu.memory_space<vmem>> -> memref<16xi32, #tpu.memory_space<vmem>>
    %dma_start3A_11 = arith.constant 0 : i32
    %dma_start3A_12 = arith.constant 0 : i32
    %dma_start3A_13 = tpu.memref_slice %arg3[%dma_start3A_11, %dma_start3A_12] : memref<8192x1024xf32, #tpu.memory_space<hbm>> -> memref<8192x1024xf32, #tpu.memory_space<hbm>>
    tpu.enqueue_indirect_dma source(%dma_start3A_13 : memref<8192x1024xf32, #tpu.memory_space<hbm>>) target(%dma_start3A_7 : memref<16x1024xf32, #tpu.memory_space<vmem>>) offsets(%dma_start3A_10 : memref<16xi32, #tpu.memory_space<vmem>>) semaphore(%arg7 : memref<!tpu.dma_semaphore, #tpu.memory_space<semaphore_mem>>)
    %dma_start3A_14 = arith.constant 1 : i32
    %dma_start3A_15 = arith.constant 1 : i32
    %dma_start3A_16 = arith.constant 0 : i32
    %dma_start3A_17 = arith.constant 0 : i32
    %dma_start3A_18 = tpu.memref_slice %arg6[%dma_start3A_15, %dma_start3A_16, %dma_start3A_17] : memref<4x16x1024xf32, #tpu.memory_space<vmem>> -> memref<1x16x1024xf32, #tpu.memory_space<vmem>>
    %dma_start3A_19 = tpu.memref_squeeze %dma_start3A_18 : memref<1x16x1024xf32, #tpu.memory_space<vmem>> -> memref<16x1024xf32, #tpu.memory_space<vmem>>
    %dma_start3A_20 = arith.constant 0 : i32
    %dma_start3A_21 = tpu.memref_slice %arg5[%dma_start3A_14, %dma_start3A_20] : memref<64x16xi32, #tpu.memory_space<vmem>> -> memref<1x16xi32, #tpu.memory_space<vmem>>
    %dma_start3A_22 = tpu.memref_squeeze %dma_start3A_21 : memref<1x16xi32, #tpu.memory_space<vmem>> -> memref<16xi32, #tpu.memory_space<vmem>>
    %dma_start3A_23 = arith.constant 0 : i32
    %dma_start3A_24 = arith.constant 0 : i32
    %dma_start3A_25 = tpu.memref_slice %arg3[%dma_start3A_23, %dma_start3A_24] : memref<8192x1024xf32, #tpu.memory_space<hbm>> -> memref<8192x1024xf32, #tpu.memory_space<hbm>>
    tpu.enqueue_indirect_dma source(%dma_start3A_25 : memref<8192x1024xf32, #tpu.memory_space<hbm>>) target(%dma_start3A_19 : memref<16x1024xf32, #tpu.memory_space<vmem>>) offsets(%dma_start3A_22 : memref<16xi32, #tpu.memory_space<vmem>>) semaphore(%arg8 : memref<!tpu.dma_semaphore, #tpu.memory_space<semaphore_mem>>)
    %scan3A = arith.constant 0 : i32
    %scan3A_26 = arith.constant 16 : i32
    %scan3A_27 = arith.addi %scan3A, %scan3A_26 : i32
    %scan3A_28 = arith.constant 1 : i32
    scf.for %scan3A_55 = %scan3A to %scan3A_27 step %scan3A_28  : i32 {
      %mul3A_56 = arith.constant 4 : i32
      %mul3A_57 = arith.muli %scan3A_55, %mul3A_56 : i32
      %add3A_58 = arith.constant 0 : i32
      %add3A_59 = arith.addi %mul3A_57, %add3A_58 : i32
      %dma_wait3A_60 = arith.constant 0 : i32
      %dma_wait3A_61 = arith.constant 0 : i32
      %dma_wait3A_62 = arith.constant 0 : i32
      %dma_wait3A_63 = arith.constant 0 : i32
      %dma_wait3A_64 = tpu.memref_slice %arg6[%dma_wait3A_61, %dma_wait3A_62, %dma_wait3A_63] : memref<4x16x1024xf32, #tpu.memory_space<vmem>> -> memref<1x16x1024xf32, #tpu.memory_space<vmem>>
      %dma_wait3A_65 = tpu.memref_squeeze %dma_wait3A_64 : memref<1x16x1024xf32, #tpu.memory_space<vmem>> -> memref<16x1024xf32, #tpu.memory_space<vmem>>
      %dma_wait3A_66 = arith.constant 0 : i32
      %dma_wait3A_67 = tpu.memref_slice %arg5[%dma_wait3A_60, %dma_wait3A_66] : memref<64x16xi32, #tpu.memory_space<vmem>> -> memref<1x16xi32, #tpu.memory_space<vmem>>
      %dma_wait3A_68 = tpu.memref_squeeze %dma_wait3A_67 : memref<1x16xi32, #tpu.memory_space<vmem>> -> memref<16xi32, #tpu.memory_space<vmem>>
      %dma_wait3A_69 = arith.constant 0 : i32
      %dma_wait3A_70 = arith.constant 0 : i32
      %dma_wait3A_71 = tpu.memref_slice %arg3[%dma_wait3A_69, %dma_wait3A_70] : memref<8192x1024xf32, #tpu.memory_space<hbm>> -> memref<8192x1024xf32, #tpu.memory_space<hbm>>
      tpu.wait_indirect_dma semaphore(%arg7 : memref<!tpu.dma_semaphore, #tpu.memory_space<semaphore_mem>>) src(%dma_wait3A_71 : memref<8192x1024xf32, #tpu.memory_space<hbm>>) dst(%dma_wait3A_65 : memref<16x1024xf32, #tpu.memory_space<vmem>>)
      %mul3A_72 = arith.constant 16 : i32
      %mul3A_73 = arith.muli %add3A_59, %mul3A_72 : i32
      %add3A_74 = arith.addi %mul3A_2, %mul3A_73 : i32
      %dma_start3A_75 = arith.constant 0 : i32
      %dma_start3A_76 = arith.constant 0 : i32
      %dma_start3A_77 = arith.constant 0 : i32
      %dma_start3A_78 = tpu.memref_slice %arg6[%dma_start3A_75, %dma_start3A_76, %dma_start3A_77] : memref<4x16x1024xf32, #tpu.memory_space<vmem>> -> memref<1x16x1024xf32, #tpu.memory_space<vmem>>
      %dma_start3A_79 = tpu.memref_squeeze %dma_start3A_78 : memref<1x16x1024xf32, #tpu.memory_space<vmem>> -> memref<16x1024xf32, #tpu.memory_space<vmem>>
      %dma_start3A_80 = arith.constant 0 : i32
      %dma_start3A_81 = tpu.memref_slice %arg4[%add3A_74, %dma_start3A_80] : memref<32768x1024xf32, #tpu.memory_space<hbm>> -> memref<16x1024xf32, #tpu.memory_space<hbm>>
      %dma_start3A_82 = arith.constant 0 : i32
      %dma_start3A_83 = tpu.memref_slice %arg4[%add3A_74, %dma_start3A_82] : memref<32768x1024xf32, #tpu.memory_space<hbm>> -> memref<16x1024xf32, #tpu.memory_space<hbm>>
      %dma_start3A_84 = arith.constant 0 : i32
      %dma_start3A_85 = arith.constant 0 : i32
      %dma_start3A_86 = tpu.memref_slice %arg6[%dma_start3A_75, %dma_start3A_84, %dma_start3A_85] : memref<4x16x1024xf32, #tpu.memory_space<vmem>> -> memref<1x16x1024xf32, #tpu.memory_space<vmem>>
      %dma_start3A_87 = tpu.memref_squeeze %dma_start3A_86 : memref<1x16x1024xf32, #tpu.memory_space<vmem>> -> memref<16x1024xf32, #tpu.memory_space<vmem>>
      tpu.enqueue_dma source(%dma_start3A_87 : memref<16x1024xf32, #tpu.memory_space<vmem>>) target(%dma_start3A_83 : memref<16x1024xf32, #tpu.memory_space<hbm>>) target_semaphore(%arg11 : memref<!tpu.dma_semaphore, #tpu.memory_space<semaphore_mem>>)
      %add3A_88 = arith.constant 2 : i32
      %add3A_89 = arith.addi %add3A_59, %add3A_88 : i32
      %lt3A = arith.constant 64 : i32
      %lt3A_90 = arith.cmpi slt, %add3A_89, %lt3A : i32
      %convert_element_type3A = arith.extui %lt3A_90 : i1 to i32
      %cond3A = arith.constant 0 : i32
      %cond3A_91 = arith.cmpi ne, %convert_element_type3A, %cond3A : i32
      scf.if %cond3A_91 {
        %ge3A = arith.constant 4 : i32
        %ge3A_209 = arith.cmpi sge, %add3A_89, %ge3A : i32
        %convert_element_type3A_210 = arith.extui %ge3A_209 : i1 to i32
        %cond3A_211 = arith.constant 0 : i32
        %cond3A_212 = arith.cmpi ne, %convert_element_type3A_210, %cond3A_211 : i32
        scf.if %cond3A_212 {
          %dma_wait3A_224 = arith.constant 2 : i32
          %dma_wait3A_225 = arith.constant 0 : i32
          %dma_wait3A_226 = arith.constant 0 : i32
          %dma_wait3A_227 = tpu.memref_slice %arg6[%dma_wait3A_224, %dma_wait3A_225, %dma_wait3A_226] : memref<4x16x1024xf32, #tpu.memory_space<vmem>> -> memref<1x16x1024xf32, #tpu.memory_space<vmem>>
          %dma_wait3A_228 = tpu.memref_squeeze %dma_wait3A_227 : memref<1x16x1024xf32, #tpu.memory_space<vmem>> -> memref<16x1024xf32, #tpu.memory_space<vmem>>
          %dma_wait3A_229 = arith.constant 0 : i32
          %dma_wait3A_230 = tpu.memref_slice %arg4[%mul3A_2, %dma_wait3A_229] : memref<32768x1024xf32, #tpu.memory_space<hbm>> -> memref<16x1024xf32, #tpu.memory_space<hbm>>
          %dma_wait3A_231 = arith.constant 0 : i32
          %dma_wait3A_232 = tpu.memref_slice %arg4[%mul3A_2, %dma_wait3A_231] : memref<32768x1024xf32, #tpu.memory_space<hbm>> -> memref<16x1024xf32, #tpu.memory_space<hbm>>
          %dma_wait3A_233 = arith.constant 0 : i32
          %dma_wait3A_234 = arith.constant 0 : i32
          %dma_wait3A_235 = tpu.memref_slice %arg6[%dma_wait3A_224, %dma_wait3A_233, %dma_wait3A_234] : memref<4x16x1024xf32, #tpu.memory_space<vmem>> -> memref<1x16x1024xf32, #tpu.memory_space<vmem>>
          %dma_wait3A_236 = tpu.memref_squeeze %dma_wait3A_235 : memref<1x16x1024xf32, #tpu.memory_space<vmem>> -> memref<16x1024xf32, #tpu.memory_space<vmem>>
          tpu.wait_dma2 semaphore(%arg13 : memref<!tpu.dma_semaphore, #tpu.memory_space<semaphore_mem>>) src(%dma_wait3A_236 : memref<16x1024xf32, #tpu.memory_space<vmem>>) dst(%dma_wait3A_232 : memref<16x1024xf32, #tpu.memory_space<hbm>>)
        } else {
        }
        %dma_start3A_213 = arith.constant 2 : i32
        %dma_start3A_214 = arith.constant 0 : i32
        %dma_start3A_215 = arith.constant 0 : i32
        %dma_start3A_216 = tpu.memref_slice %arg6[%dma_start3A_213, %dma_start3A_214, %dma_start3A_215] : memref<4x16x1024xf32, #tpu.memory_space<vmem>> -> memref<1x16x1024xf32, #tpu.memory_space<vmem>>
        %dma_start3A_217 = tpu.memref_squeeze %dma_start3A_216 : memref<1x16x1024xf32, #tpu.memory_space<vmem>> -> memref<16x1024xf32, #tpu.memory_space<vmem>>
        %dma_start3A_218 = arith.constant 0 : i32
        %dma_start3A_219 = tpu.memref_slice %arg5[%add3A_89, %dma_start3A_218] : memref<64x16xi32, #tpu.memory_space<vmem>> -> memref<1x16xi32, #tpu.memory_space<vmem>>
        %dma_start3A_220 = tpu.memref_squeeze %dma_start3A_219 : memref<1x16xi32, #tpu.memory_space<vmem>> -> memref<16xi32, #tpu.memory_space<vmem>>
        %dma_start3A_221 = arith.constant 0 : i32
        %dma_start3A_222 = arith.constant 0 : i32
        %dma_start3A_223 = tpu.memref_slice %arg3[%dma_start3A_221, %dma_start3A_222] : memref<8192x1024xf32, #tpu.memory_space<hbm>> -> memref<8192x1024xf32, #tpu.memory_space<hbm>>
        tpu.enqueue_indirect_dma source(%dma_start3A_223 : memref<8192x1024xf32, #tpu.memory_space<hbm>>) target(%dma_start3A_217 : memref<16x1024xf32, #tpu.memory_space<vmem>>) offsets(%dma_start3A_220 : memref<16xi32, #tpu.memory_space<vmem>>) semaphore(%arg9 : memref<!tpu.dma_semaphore, #tpu.memory_space<semaphore_mem>>)
      } else {
      }
      %mul3A_92 = arith.constant 4 : i32
      %mul3A_93 = arith.muli %scan3A_55, %mul3A_92 : i32
      %add3A_94 = arith.constant 1 : i32
      %add3A_95 = arith.addi %mul3A_93, %add3A_94 : i32
      %dma_wait3A_96 = arith.constant 0 : i32
      %dma_wait3A_97 = arith.constant 1 : i32
      %dma_wait3A_98 = arith.constant 0 : i32
      %dma_wait3A_99 = arith.constant 0 : i32
      %dma_wait3A_100 = tpu.memref_slice %arg6[%dma_wait3A_97, %dma_wait3A_98, %dma_wait3A_99] : memref<4x16x1024xf32, #tpu.memory_space<vmem>> -> memref<1x16x1024xf32, #tpu.memory_space<vmem>>
      %dma_wait3A_101 = tpu.memref_squeeze %dma_wait3A_100 : memref<1x16x1024xf32, #tpu.memory_space<vmem>> -> memref<16x1024xf32, #tpu.memory_space<vmem>>
      %dma_wait3A_102 = arith.constant 0 : i32
      %dma_wait3A_103 = tpu.memref_slice %arg5[%dma_wait3A_96, %dma_wait3A_102] : memref<64x16xi32, #tpu.memory_space<vmem>> -> memref<1x16xi32, #tpu.memory_space<vmem>>
      %dma_wait3A_104 = tpu.memref_squeeze %dma_wait3A_103 : memref<1x16xi32, #tpu.memory_space<vmem>> -> memref<16xi32, #tpu.memory_space<vmem>>
      %dma_wait3A_105 = arith.constant 0 : i32
      %dma_wait3A_106 = arith.constant 0 : i32
      %dma_wait3A_107 = tpu.memref_slice %arg3[%dma_wait3A_105, %dma_wait3A_106] : memref<8192x1024xf32, #tpu.memory_space<hbm>> -> memref<8192x1024xf32, #tpu.memory_space<hbm>>
      tpu.wait_indirect_dma semaphore(%arg8 : memref<!tpu.dma_semaphore, #tpu.memory_space<semaphore_mem>>) src(%dma_wait3A_107 : memref<8192x1024xf32, #tpu.memory_space<hbm>>) dst(%dma_wait3A_101 : memref<16x1024xf32, #tpu.memory_space<vmem>>)
      %mul3A_108 = arith.constant 16 : i32
      %mul3A_109 = arith.muli %add3A_95, %mul3A_108 : i32
      %add3A_110 = arith.addi %mul3A_2, %mul3A_109 : i32
      %dma_start3A_111 = arith.constant 1 : i32
      %dma_start3A_112 = arith.constant 0 : i32
      %dma_start3A_113 = arith.constant 0 : i32
      %dma_start3A_114 = tpu.memref_slice %arg6[%dma_start3A_111, %dma_start3A_112, %dma_start3A_113] : memref<4x16x1024xf32, #tpu.memory_space<vmem>> -> memref<1x16x1024xf32, #tpu.memory_space<vmem>>
      %dma_start3A_115 = tpu.memref_squeeze %dma_start3A_114 : memref<1x16x1024xf32, #tpu.memory_space<vmem>> -> memref<16x1024xf32, #tpu.memory_space<vmem>>
      %dma_start3A_116 = arith.constant 0 : i32
      %dma_start3A_117 = tpu.memref_slice %arg4[%add3A_110, %dma_start3A_116] : memref<32768x1024xf32, #tpu.memory_space<hbm>> -> memref<16x1024xf32, #tpu.memory_space<hbm>>
      %dma_start3A_118 = arith.constant 0 : i32
      %dma_start3A_119 = tpu.memref_slice %arg4[%add3A_110, %dma_start3A_118] : memref<32768x1024xf32, #tpu.memory_space<hbm>> -> memref<16x1024xf32, #tpu.memory_space<hbm>>
      %dma_start3A_120 = arith.constant 0 : i32
      %dma_start3A_121 = arith.constant 0 : i32
      %dma_start3A_122 = tpu.memref_slice %arg6[%dma_start3A_111, %dma_start3A_120, %dma_start3A_121] : memref<4x16x1024xf32, #tpu.memory_space<vmem>> -> memref<1x16x1024xf32, #tpu.memory_space<vmem>>
      %dma_start3A_123 = tpu.memref_squeeze %dma_start3A_122 : memref<1x16x1024xf32, #tpu.memory_space<vmem>> -> memref<16x1024xf32, #tpu.memory_space<vmem>>
      tpu.enqueue_dma source(%dma_start3A_123 : memref<16x1024xf32, #tpu.memory_space<vmem>>) target(%dma_start3A_119 : memref<16x1024xf32, #tpu.memory_space<hbm>>) target_semaphore(%arg12 : memref<!tpu.dma_semaphore, #tpu.memory_space<semaphore_mem>>)
      %add3A_124 = arith.constant 2 : i32
      %add3A_125 = arith.addi %add3A_95, %add3A_124 : i32
      %lt3A_126 = arith.constant 64 : i32
      %lt3A_127 = arith.cmpi slt, %add3A_125, %lt3A_126 : i32
      %convert_element_type3A_128 = arith.extui %lt3A_127 : i1 to i32
      %cond3A_129 = arith.constant 0 : i32
      %cond3A_130 = arith.cmpi ne, %convert_element_type3A_128, %cond3A_129 : i32
      scf.if %cond3A_130 {
        %ge3A = arith.constant 4 : i32
        %ge3A_209 = arith.cmpi sge, %add3A_125, %ge3A : i32
        %convert_element_type3A_210 = arith.extui %ge3A_209 : i1 to i32
        %cond3A_211 = arith.constant 0 : i32
        %cond3A_212 = arith.cmpi ne, %convert_element_type3A_210, %cond3A_211 : i32
        scf.if %cond3A_212 {
          %dma_wait3A_224 = arith.constant 3 : i32
          %dma_wait3A_225 = arith.constant 0 : i32
          %dma_wait3A_226 = arith.constant 0 : i32
          %dma_wait3A_227 = tpu.memref_slice %arg6[%dma_wait3A_224, %dma_wait3A_225, %dma_wait3A_226] : memref<4x16x1024xf32, #tpu.memory_space<vmem>> -> memref<1x16x1024xf32, #tpu.memory_space<vmem>>
          %dma_wait3A_228 = tpu.memref_squeeze %dma_wait3A_227 : memref<1x16x1024xf32, #tpu.memory_space<vmem>> -> memref<16x1024xf32, #tpu.memory_space<vmem>>
          %dma_wait3A_229 = arith.constant 0 : i32
          %dma_wait3A_230 = tpu.memref_slice %arg4[%mul3A_2, %dma_wait3A_229] : memref<32768x1024xf32, #tpu.memory_space<hbm>> -> memref<16x1024xf32, #tpu.memory_space<hbm>>
          %dma_wait3A_231 = arith.constant 0 : i32
          %dma_wait3A_232 = tpu.memref_slice %arg4[%mul3A_2, %dma_wait3A_231] : memref<32768x1024xf32, #tpu.memory_space<hbm>> -> memref<16x1024xf32, #tpu.memory_space<hbm>>
          %dma_wait3A_233 = arith.constant 0 : i32
          %dma_wait3A_234 = arith.constant 0 : i32
          %dma_wait3A_235 = tpu.memref_slice %arg6[%dma_wait3A_224, %dma_wait3A_233, %dma_wait3A_234] : memref<4x16x1024xf32, #tpu.memory_space<vmem>> -> memref<1x16x1024xf32, #tpu.memory_space<vmem>>
          %dma_wait3A_236 = tpu.memref_squeeze %dma_wait3A_235 : memref<1x16x1024xf32, #tpu.memory_space<vmem>> -> memref<16x1024xf32, #tpu.memory_space<vmem>>
          tpu.wait_dma2 semaphore(%arg14 : memref<!tpu.dma_semaphore, #tpu.memory_space<semaphore_mem>>) src(%dma_wait3A_236 : memref<16x1024xf32, #tpu.memory_space<vmem>>) dst(%dma_wait3A_232 : memref<16x1024xf32, #tpu.memory_space<hbm>>)
        } else {
        }
        %dma_start3A_213 = arith.constant 3 : i32
        %dma_start3A_214 = arith.constant 0 : i32
        %dma_start3A_215 = arith.constant 0 : i32
        %dma_start3A_216 = tpu.memref_slice %arg6[%dma_start3A_213, %dma_start3A_214, %dma_start3A_215] : memref<4x16x1024xf32, #tpu.memory_space<vmem>> -> memref<1x16x1024xf32, #tpu.memory_space<vmem>>
        %dma_start3A_217 = tpu.memref_squeeze %dma_start3A_216 : memref<1x16x1024xf32, #tpu.memory_space<vmem>> -> memref<16x1024xf32, #tpu.memory_space<vmem>>
        %dma_start3A_218 = arith.constant 0 : i32
        %dma_start3A_219 = tpu.memref_slice %arg5[%add3A_125, %dma_start3A_218] : memref<64x16xi32, #tpu.memory_space<vmem>> -> memref<1x16xi32, #tpu.memory_space<vmem>>
        %dma_start3A_220 = tpu.memref_squeeze %dma_start3A_219 : memref<1x16xi32, #tpu.memory_space<vmem>> -> memref<16xi32, #tpu.memory_space<vmem>>
        %dma_start3A_221 = arith.constant 0 : i32
        %dma_start3A_222 = arith.constant 0 : i32
        %dma_start3A_223 = tpu.memref_slice %arg3[%dma_start3A_221, %dma_start3A_222] : memref<8192x1024xf32, #tpu.memory_space<hbm>> -> memref<8192x1024xf32, #tpu.memory_space<hbm>>
        tpu.enqueue_indirect_dma source(%dma_start3A_223 : memref<8192x1024xf32, #tpu.memory_space<hbm>>) target(%dma_start3A_217 : memref<16x1024xf32, #tpu.memory_space<vmem>>) offsets(%dma_start3A_220 : memref<16xi32, #tpu.memory_space<vmem>>) semaphore(%arg10 : memref<!tpu.dma_semaphore, #tpu.memory_space<semaphore_mem>>)
      } else {
      }
      %mul3A_131 = arith.constant 4 : i32
      %mul3A_132 = arith.muli %scan3A_55, %mul3A_131 : i32
      %add3A_133 = arith.constant 2 : i32
      %add3A_134 = arith.addi %mul3A_132, %add3A_133 : i32
      %dma_wait3A_135 = arith.constant 0 : i32
      %dma_wait3A_136 = arith.constant 2 : i32
      %dma_wait3A_137 = arith.constant 0 : i32
      %dma_wait3A_138 = arith.constant 0 : i32
      %dma_wait3A_139 = tpu.memref_slice %arg6[%dma_wait3A_136, %dma_wait3A_137, %dma_wait3A_138] : memref<4x16x1024xf32, #tpu.memory_space<vmem>> -> memref<1x16x1024xf32, #tpu.memory_space<vmem>>
      %dma_wait3A_140 = tpu.memref_squeeze %dma_wait3A_139 : memref<1x16x1024xf32, #tpu.memory_space<vmem>> -> memref<16x1024xf32, #tpu.memory_space<vmem>>
      %dma_wait3A_141 = arith.constant 0 : i32
      %dma_wait3A_142 = tpu.memref_slice %arg5[%dma_wait3A_135, %dma_wait3A_141] : memref<64x16xi32, #tpu.memory_space<vmem>> -> memref<1x16xi32, #tpu.memory_space<vmem>>
      %dma_wait3A_143 = tpu.memref_squeeze %dma_wait3A_142 : memref<1x16xi32, #tpu.memory_space<vmem>> -> memref<16xi32, #tpu.memory_space<vmem>>
      %dma_wait3A_144 = arith.constant 0 : i32
      %dma_wait3A_145 = arith.constant 0 : i32
      %dma_wait3A_146 = tpu.memref_slice %arg3[%dma_wait3A_144, %dma_wait3A_145] : memref<8192x1024xf32, #tpu.memory_space<hbm>> -> memref<8192x1024xf32, #tpu.memory_space<hbm>>
      tpu.wait_indirect_dma semaphore(%arg9 : memref<!tpu.dma_semaphore, #tpu.memory_space<semaphore_mem>>) src(%dma_wait3A_146 : memref<8192x1024xf32, #tpu.memory_space<hbm>>) dst(%dma_wait3A_140 : memref<16x1024xf32, #tpu.memory_space<vmem>>)
      %mul3A_147 = arith.constant 16 : i32
      %mul3A_148 = arith.muli %add3A_134, %mul3A_147 : i32
      %add3A_149 = arith.addi %mul3A_2, %mul3A_148 : i32
      %dma_start3A_150 = arith.constant 2 : i32
      %dma_start3A_151 = arith.constant 0 : i32
      %dma_start3A_152 = arith.constant 0 : i32
      %dma_start3A_153 = tpu.memref_slice %arg6[%dma_start3A_150, %dma_start3A_151, %dma_start3A_152] : memref<4x16x1024xf32, #tpu.memory_space<vmem>> -> memref<1x16x1024xf32, #tpu.memory_space<vmem>>
      %dma_start3A_154 = tpu.memref_squeeze %dma_start3A_153 : memref<1x16x1024xf32, #tpu.memory_space<vmem>> -> memref<16x1024xf32, #tpu.memory_space<vmem>>
      %dma_start3A_155 = arith.constant 0 : i32
      %dma_start3A_156 = tpu.memref_slice %arg4[%add3A_149, %dma_start3A_155] : memref<32768x1024xf32, #tpu.memory_space<hbm>> -> memref<16x1024xf32, #tpu.memory_space<hbm>>
      %dma_start3A_157 = arith.constant 0 : i32
      %dma_start3A_158 = tpu.memref_slice %arg4[%add3A_149, %dma_start3A_157] : memref<32768x1024xf32, #tpu.memory_space<hbm>> -> memref<16x1024xf32, #tpu.memory_space<hbm>>
      %dma_start3A_159 = arith.constant 0 : i32
      %dma_start3A_160 = arith.constant 0 : i32
      %dma_start3A_161 = tpu.memref_slice %arg6[%dma_start3A_150, %dma_start3A_159, %dma_start3A_160] : memref<4x16x1024xf32, #tpu.memory_space<vmem>> -> memref<1x16x1024xf32, #tpu.memory_space<vmem>>
      %dma_start3A_162 = tpu.memref_squeeze %dma_start3A_161 : memref<1x16x1024xf32, #tpu.memory_space<vmem>> -> memref<16x1024xf32, #tpu.memory_space<vmem>>
      tpu.enqueue_dma source(%dma_start3A_162 : memref<16x1024xf32, #tpu.memory_space<vmem>>) target(%dma_start3A_158 : memref<16x1024xf32, #tpu.memory_space<hbm>>) target_semaphore(%arg13 : memref<!tpu.dma_semaphore, #tpu.memory_space<semaphore_mem>>)
      %add3A_163 = arith.constant 2 : i32
      %add3A_164 = arith.addi %add3A_134, %add3A_163 : i32
      %lt3A_165 = arith.constant 64 : i32
      %lt3A_166 = arith.cmpi slt, %add3A_164, %lt3A_165 : i32
      %convert_element_type3A_167 = arith.extui %lt3A_166 : i1 to i32
      %cond3A_168 = arith.constant 0 : i32
      %cond3A_169 = arith.cmpi ne, %convert_element_type3A_167, %cond3A_168 : i32
      scf.if %cond3A_169 {
        %ge3A = arith.constant 4 : i32
        %ge3A_209 = arith.cmpi sge, %add3A_164, %ge3A : i32
        %convert_element_type3A_210 = arith.extui %ge3A_209 : i1 to i32
        %cond3A_211 = arith.constant 0 : i32
        %cond3A_212 = arith.cmpi ne, %convert_element_type3A_210, %cond3A_211 : i32
        scf.if %cond3A_212 {
          %dma_wait3A_224 = arith.constant 0 : i32
          %dma_wait3A_225 = arith.constant 0 : i32
          %dma_wait3A_226 = arith.constant 0 : i32
          %dma_wait3A_227 = tpu.memref_slice %arg6[%dma_wait3A_224, %dma_wait3A_225, %dma_wait3A_226] : memref<4x16x1024xf32, #tpu.memory_space<vmem>> -> memref<1x16x1024xf32, #tpu.memory_space<vmem>>
          %dma_wait3A_228 = tpu.memref_squeeze %dma_wait3A_227 : memref<1x16x1024xf32, #tpu.memory_space<vmem>> -> memref<16x1024xf32, #tpu.memory_space<vmem>>
          %dma_wait3A_229 = arith.constant 0 : i32
          %dma_wait3A_230 = tpu.memref_slice %arg4[%mul3A_2, %dma_wait3A_229] : memref<32768x1024xf32, #tpu.memory_space<hbm>> -> memref<16x1024xf32, #tpu.memory_space<hbm>>
          %dma_wait3A_231 = arith.constant 0 : i32
          %dma_wait3A_232 = tpu.memref_slice %arg4[%mul3A_2, %dma_wait3A_231] : memref<32768x1024xf32, #tpu.memory_space<hbm>> -> memref<16x1024xf32, #tpu.memory_space<hbm>>
          %dma_wait3A_233 = arith.constant 0 : i32
          %dma_wait3A_234 = arith.constant 0 : i32
          %dma_wait3A_235 = tpu.memref_slice %arg6[%dma_wait3A_224, %dma_wait3A_233, %dma_wait3A_234] : memref<4x16x1024xf32, #tpu.memory_space<vmem>> -> memref<1x16x1024xf32, #tpu.memory_space<vmem>>
          %dma_wait3A_236 = tpu.memref_squeeze %dma_wait3A_235 : memref<1x16x1024xf32, #tpu.memory_space<vmem>> -> memref<16x1024xf32, #tpu.memory_space<vmem>>
          tpu.wait_dma2 semaphore(%arg11 : memref<!tpu.dma_semaphore, #tpu.memory_space<semaphore_mem>>) src(%dma_wait3A_236 : memref<16x1024xf32, #tpu.memory_space<vmem>>) dst(%dma_wait3A_232 : memref<16x1024xf32, #tpu.memory_space<hbm>>)
        } else {
        }
        %dma_start3A_213 = arith.constant 0 : i32
        %dma_start3A_214 = arith.constant 0 : i32
        %dma_start3A_215 = arith.constant 0 : i32
        %dma_start3A_216 = tpu.memref_slice %arg6[%dma_start3A_213, %dma_start3A_214, %dma_start3A_215] : memref<4x16x1024xf32, #tpu.memory_space<vmem>> -> memref<1x16x1024xf32, #tpu.memory_space<vmem>>
        %dma_start3A_217 = tpu.memref_squeeze %dma_start3A_216 : memref<1x16x1024xf32, #tpu.memory_space<vmem>> -> memref<16x1024xf32, #tpu.memory_space<vmem>>
        %dma_start3A_218 = arith.constant 0 : i32
        %dma_start3A_219 = tpu.memref_slice %arg5[%add3A_164, %dma_start3A_218] : memref<64x16xi32, #tpu.memory_space<vmem>> -> memref<1x16xi32, #tpu.memory_space<vmem>>
        %dma_start3A_220 = tpu.memref_squeeze %dma_start3A_219 : memref<1x16xi32, #tpu.memory_space<vmem>> -> memref<16xi32, #tpu.memory_space<vmem>>
        %dma_start3A_221 = arith.constant 0 : i32
        %dma_start3A_222 = arith.constant 0 : i32
        %dma_start3A_223 = tpu.memref_slice %arg3[%dma_start3A_221, %dma_start3A_222] : memref<8192x1024xf32, #tpu.memory_space<hbm>> -> memref<8192x1024xf32, #tpu.memory_space<hbm>>
        tpu.enqueue_indirect_dma source(%dma_start3A_223 : memref<8192x1024xf32, #tpu.memory_space<hbm>>) target(%dma_start3A_217 : memref<16x1024xf32, #tpu.memory_space<vmem>>) offsets(%dma_start3A_220 : memref<16xi32, #tpu.memory_space<vmem>>) semaphore(%arg7 : memref<!tpu.dma_semaphore, #tpu.memory_space<semaphore_mem>>)
      } else {
      }
      %mul3A_170 = arith.constant 4 : i32
      %mul3A_171 = arith.muli %scan3A_55, %mul3A_170 : i32
      %add3A_172 = arith.constant 3 : i32
      %add3A_173 = arith.addi %mul3A_171, %add3A_172 : i32
      %dma_wait3A_174 = arith.constant 0 : i32
      %dma_wait3A_175 = arith.constant 3 : i32
      %dma_wait3A_176 = arith.constant 0 : i32
      %dma_wait3A_177 = arith.constant 0 : i32
      %dma_wait3A_178 = tpu.memref_slice %arg6[%dma_wait3A_175, %dma_wait3A_176, %dma_wait3A_177] : memref<4x16x1024xf32, #tpu.memory_space<vmem>> -> memref<1x16x1024xf32, #tpu.memory_space<vmem>>
      %dma_wait3A_179 = tpu.memref_squeeze %dma_wait3A_178 : memref<1x16x1024xf32, #tpu.memory_space<vmem>> -> memref<16x1024xf32, #tpu.memory_space<vmem>>
      %dma_wait3A_180 = arith.constant 0 : i32
      %dma_wait3A_181 = tpu.memref_slice %arg5[%dma_wait3A_174, %dma_wait3A_180] : memref<64x16xi32, #tpu.memory_space<vmem>> -> memref<1x16xi32, #tpu.memory_space<vmem>>
      %dma_wait3A_182 = tpu.memref_squeeze %dma_wait3A_181 : memref<1x16xi32, #tpu.memory_space<vmem>> -> memref<16xi32, #tpu.memory_space<vmem>>
      %dma_wait3A_183 = arith.constant 0 : i32
      %dma_wait3A_184 = arith.constant 0 : i32
      %dma_wait3A_185 = tpu.memref_slice %arg3[%dma_wait3A_183, %dma_wait3A_184] : memref<8192x1024xf32, #tpu.memory_space<hbm>> -> memref<8192x1024xf32, #tpu.memory_space<hbm>>
      tpu.wait_indirect_dma semaphore(%arg10 : memref<!tpu.dma_semaphore, #tpu.memory_space<semaphore_mem>>) src(%dma_wait3A_185 : memref<8192x1024xf32, #tpu.memory_space<hbm>>) dst(%dma_wait3A_179 : memref<16x1024xf32, #tpu.memory_space<vmem>>)
      %mul3A_186 = arith.constant 16 : i32
      %mul3A_187 = arith.muli %add3A_173, %mul3A_186 : i32
      %add3A_188 = arith.addi %mul3A_2, %mul3A_187 : i32
      %dma_start3A_189 = arith.constant 3 : i32
      %dma_start3A_190 = arith.constant 0 : i32
      %dma_start3A_191 = arith.constant 0 : i32
      %dma_start3A_192 = tpu.memref_slice %arg6[%dma_start3A_189, %dma_start3A_190, %dma_start3A_191] : memref<4x16x1024xf32, #tpu.memory_space<vmem>> -> memref<1x16x1024xf32, #tpu.memory_space<vmem>>
      %dma_start3A_193 = tpu.memref_squeeze %dma_start3A_192 : memref<1x16x1024xf32, #tpu.memory_space<vmem>> -> memref<16x1024xf32, #tpu.memory_space<vmem>>
      %dma_start3A_194 = arith.constant 0 : i32
      %dma_start3A_195 = tpu.memref_slice %arg4[%add3A_188, %dma_start3A_194] : memref<32768x1024xf32, #tpu.memory_space<hbm>> -> memref<16x1024xf32, #tpu.memory_space<hbm>>
      %dma_start3A_196 = arith.constant 0 : i32
      %dma_start3A_197 = tpu.memref_slice %arg4[%add3A_188, %dma_start3A_196] : memref<32768x1024xf32, #tpu.memory_space<hbm>> -> memref<16x1024xf32, #tpu.memory_space<hbm>>
      %dma_start3A_198 = arith.constant 0 : i32
      %dma_start3A_199 = arith.constant 0 : i32
      %dma_start3A_200 = tpu.memref_slice %arg6[%dma_start3A_189, %dma_start3A_198, %dma_start3A_199] : memref<4x16x1024xf32, #tpu.memory_space<vmem>> -> memref<1x16x1024xf32, #tpu.memory_space<vmem>>
      %dma_start3A_201 = tpu.memref_squeeze %dma_start3A_200 : memref<1x16x1024xf32, #tpu.memory_space<vmem>> -> memref<16x1024xf32, #tpu.memory_space<vmem>>
      tpu.enqueue_dma source(%dma_start3A_201 : memref<16x1024xf32, #tpu.memory_space<vmem>>) target(%dma_start3A_197 : memref<16x1024xf32, #tpu.memory_space<hbm>>) target_semaphore(%arg14 : memref<!tpu.dma_semaphore, #tpu.memory_space<semaphore_mem>>)
      %add3A_202 = arith.constant 2 : i32
      %add3A_203 = arith.addi %add3A_173, %add3A_202 : i32
      %lt3A_204 = arith.constant 64 : i32
      %lt3A_205 = arith.cmpi slt, %add3A_203, %lt3A_204 : i32
      %convert_element_type3A_206 = arith.extui %lt3A_205 : i1 to i32
      %cond3A_207 = arith.constant 0 : i32
      %cond3A_208 = arith.cmpi ne, %convert_element_type3A_206, %cond3A_207 : i32
      scf.if %cond3A_208 {
        %ge3A = arith.constant 4 : i32
        %ge3A_209 = arith.cmpi sge, %add3A_203, %ge3A : i32
        %convert_element_type3A_210 = arith.extui %ge3A_209 : i1 to i32
        %cond3A_211 = arith.constant 0 : i32
        %cond3A_212 = arith.cmpi ne, %convert_element_type3A_210, %cond3A_211 : i32
        scf.if %cond3A_212 {
          %dma_wait3A_224 = arith.constant 1 : i32
          %dma_wait3A_225 = arith.constant 0 : i32
          %dma_wait3A_226 = arith.constant 0 : i32
          %dma_wait3A_227 = tpu.memref_slice %arg6[%dma_wait3A_224, %dma_wait3A_225, %dma_wait3A_226] : memref<4x16x1024xf32, #tpu.memory_space<vmem>> -> memref<1x16x1024xf32, #tpu.memory_space<vmem>>
          %dma_wait3A_228 = tpu.memref_squeeze %dma_wait3A_227 : memref<1x16x1024xf32, #tpu.memory_space<vmem>> -> memref<16x1024xf32, #tpu.memory_space<vmem>>
          %dma_wait3A_229 = arith.constant 0 : i32
          %dma_wait3A_230 = tpu.memref_slice %arg4[%mul3A_2, %dma_wait3A_229] : memref<32768x1024xf32, #tpu.memory_space<hbm>> -> memref<16x1024xf32, #tpu.memory_space<hbm>>
          %dma_wait3A_231 = arith.constant 0 : i32
          %dma_wait3A_232 = tpu.memref_slice %arg4[%mul3A_2, %dma_wait3A_231] : memref<32768x1024xf32, #tpu.memory_space<hbm>> -> memref<16x1024xf32, #tpu.memory_space<hbm>>
          %dma_wait3A_233 = arith.constant 0 : i32
          %dma_wait3A_234 = arith.constant 0 : i32
          %dma_wait3A_235 = tpu.memref_slice %arg6[%dma_wait3A_224, %dma_wait3A_233, %dma_wait3A_234] : memref<4x16x1024xf32, #tpu.memory_space<vmem>> -> memref<1x16x1024xf32, #tpu.memory_space<vmem>>
          %dma_wait3A_236 = tpu.memref_squeeze %dma_wait3A_235 : memref<1x16x1024xf32, #tpu.memory_space<vmem>> -> memref<16x1024xf32, #tpu.memory_space<vmem>>
          tpu.wait_dma2 semaphore(%arg12 : memref<!tpu.dma_semaphore, #tpu.memory_space<semaphore_mem>>) src(%dma_wait3A_236 : memref<16x1024xf32, #tpu.memory_space<vmem>>) dst(%dma_wait3A_232 : memref<16x1024xf32, #tpu.memory_space<hbm>>)
        } else {
        }
        %dma_start3A_213 = arith.constant 1 : i32
        %dma_start3A_214 = arith.constant 0 : i32
        %dma_start3A_215 = arith.constant 0 : i32
        %dma_start3A_216 = tpu.memref_slice %arg6[%dma_start3A_213, %dma_start3A_214, %dma_start3A_215] : memref<4x16x1024xf32, #tpu.memory_space<vmem>> -> memref<1x16x1024xf32, #tpu.memory_space<vmem>>
        %dma_start3A_217 = tpu.memref_squeeze %dma_start3A_216 : memref<1x16x1024xf32, #tpu.memory_space<vmem>> -> memref<16x1024xf32, #tpu.memory_space<vmem>>
        %dma_start3A_218 = arith.constant 0 : i32
        %dma_start3A_219 = tpu.memref_slice %arg5[%add3A_203, %dma_start3A_218] : memref<64x16xi32, #tpu.memory_space<vmem>> -> memref<1x16xi32, #tpu.memory_space<vmem>>
        %dma_start3A_220 = tpu.memref_squeeze %dma_start3A_219 : memref<1x16xi32, #tpu.memory_space<vmem>> -> memref<16xi32, #tpu.memory_space<vmem>>
        %dma_start3A_221 = arith.constant 0 : i32
        %dma_start3A_222 = arith.constant 0 : i32
        %dma_start3A_223 = tpu.memref_slice %arg3[%dma_start3A_221, %dma_start3A_222] : memref<8192x1024xf32, #tpu.memory_space<hbm>> -> memref<8192x1024xf32, #tpu.memory_space<hbm>>
        tpu.enqueue_indirect_dma source(%dma_start3A_223 : memref<8192x1024xf32, #tpu.memory_space<hbm>>) target(%dma_start3A_217 : memref<16x1024xf32, #tpu.memory_space<vmem>>) offsets(%dma_start3A_220 : memref<16xi32, #tpu.memory_space<vmem>>) semaphore(%arg8 : memref<!tpu.dma_semaphore, #tpu.memory_space<semaphore_mem>>)
      } else {
      }
    }
    %scan3A_29 = arith.constant 16 : i32
    %dma_wait3A = arith.constant 2 : i32
    %dma_wait3A_30 = arith.constant 0 : i32
    %dma_wait3A_31 = arith.constant 0 : i32
    %dma_wait3A_32 = tpu.memref_slice %arg6[%dma_wait3A, %dma_wait3A_30, %dma_wait3A_31] : memref<4x16x1024xf32, #tpu.memory_space<vmem>> -> memref<1x16x1024xf32, #tpu.memory_space<vmem>>
    %dma_wait3A_33 = tpu.memref_squeeze %dma_wait3A_32 : memref<1x16x1024xf32, #tpu.memory_space<vmem>> -> memref<16x1024xf32, #tpu.memory_space<vmem>>
    %dma_wait3A_34 = arith.constant 0 : i32
    %dma_wait3A_35 = tpu.memref_slice %arg4[%mul3A_2, %dma_wait3A_34] : memref<32768x1024xf32, #tpu.memory_space<hbm>> -> memref<16x1024xf32, #tpu.memory_space<hbm>>
    %dma_wait3A_36 = arith.constant 0 : i32
    %dma_wait3A_37 = tpu.memref_slice %arg4[%mul3A_2, %dma_wait3A_36] : memref<32768x1024xf32, #tpu.memory_space<hbm>> -> memref<16x1024xf32, #tpu.memory_space<hbm>>
    %dma_wait3A_38 = arith.constant 0 : i32
    %dma_wait3A_39 = arith.constant 0 : i32
    %dma_wait3A_40 = tpu.memref_slice %arg6[%dma_wait3A, %dma_wait3A_38, %dma_wait3A_39] : memref<4x16x1024xf32, #tpu.memory_space<vmem>> -> memref<1x16x1024xf32, #tpu.memory_space<vmem>>
    %dma_wait3A_41 = tpu.memref_squeeze %dma_wait3A_40 : memref<1x16x1024xf32, #tpu.memory_space<vmem>> -> memref<16x1024xf32, #tpu.memory_space<vmem>>
    tpu.wait_dma2 semaphore(%arg13 : memref<!tpu.dma_semaphore, #tpu.memory_space<semaphore_mem>>) src(%dma_wait3A_41 : memref<16x1024xf32, #tpu.memory_space<vmem>>) dst(%dma_wait3A_37 : memref<16x1024xf32, #tpu.memory_space<hbm>>)
    %dma_wait3A_42 = arith.constant 3 : i32
    %dma_wait3A_43 = arith.constant 0 : i32
    %dma_wait3A_44 = arith.constant 0 : i32
    %dma_wait3A_45 = tpu.memref_slice %arg6[%dma_wait3A_42, %dma_wait3A_43, %dma_wait3A_44] : memref<4x16x1024xf32, #tpu.memory_space<vmem>> -> memref<1x16x1024xf32, #tpu.memory_space<vmem>>
    %dma_wait3A_46 = tpu.memref_squeeze %dma_wait3A_45 : memref<1x16x1024xf32, #tpu.memory_space<vmem>> -> memref<16x1024xf32, #tpu.memory_space<vmem>>
    %dma_wait3A_47 = arith.constant 0 : i32
    %dma_wait3A_48 = tpu.memref_slice %arg4[%mul3A_2, %dma_wait3A_47] : memref<32768x1024xf32, #tpu.memory_space<hbm>> -> memref<16x1024xf32, #tpu.memory_space<hbm>>
    %dma_wait3A_49 = arith.constant 0 : i32
    %dma_wait3A_50 = tpu.memref_slice %arg4[%mul3A_2, %dma_wait3A_49] : memref<32768x1024xf32, #tpu.memory_space<hbm>> -> memref<16x1024xf32, #tpu.memory_space<hbm>>
    %dma_wait3A_51 = arith.constant 0 : i32
    %dma_wait3A_52 = arith.constant 0 : i32
    %dma_wait3A_53 = tpu.memref_slice %arg6[%dma_wait3A_42, %dma_wait3A_51, %dma_wait3A_52] : memref<4x16x1024xf32, #tpu.memory_space<vmem>> -> memref<1x16x1024xf32, #tpu.memory_space<vmem>>
    %dma_wait3A_54 = tpu.memref_squeeze %dma_wait3A_53 : memref<1x16x1024xf32, #tpu.memory_space<vmem>> -> memref<16x1024xf32, #tpu.memory_space<vmem>>
    tpu.wait_dma2 semaphore(%arg14 : memref<!tpu.dma_semaphore, #tpu.memory_space<semaphore_mem>>) src(%dma_wait3A_54 : memref<16x1024xf32, #tpu.memory_space<vmem>>) dst(%dma_wait3A_50 : memref<16x1024xf32, #tpu.memory_space<hbm>>)
    return
  }
}

</mosaic_0001>

<sc_bundles>
// kernel: kernel.3.cloned.1.call-start
scs
__scs_entry_jumppad:
0x0: {  	(pc) =	sbr.rel $0x88, $3  }
0x1: {  	(tag) =	ssettag $0x0;
	lr =	simm.s32 $0x1  }
0x2: {  	[smem:$0x3F9F] =	sst lr;
	_ =	strace $0xD0000000  }
0x3: {  	_ = 	snop  }
0x4: {  	_ = 	snop  }
0x5: {  	_ = 	snop  }
0x6: {  	_ = 	snop  }
0x7: {  	_ = 	snop  }
__scs_overlays_trampoline_lowered:
0x8: {  	[smem:$0x3FAE] =	sst s0  }
0x9: {  	[smem:$0x3FAF] =	sst s1  }
0xa: {  	[smem:$0x3FB0] =	sst s2  }
0xb: {  	[smem:$0x3FB1] =	sst s3  }
0xc: {  	[smem:$0x3FB2] =	sst s4  }
0xd: {  	[smem:$0x3FB3] =	sst s5  }
0xe: {  	[smem:$0x3FB4] =	sst s6  }
0xf: {  	[smem:$0x3FB5] =	sst s7  }
0x10: {  	[smem:$0x3FB6] =	sst s8  }
0x11: {  	[smem:$0x3FB7] =	sst s9;
	s0 =	simm.s32 @!p0 $0x0  }
0x12: {  	s1 =	sld [smem:$0x3F9D];
	s0 =	simm.s32 @p0 $0x1  }
0x13: {  	[smem:$0x3FB8] =	sst s0;
	s0 =	simm.s32 @!p1 $0x0  }
0x14: {  	s2 =	sld [smem:$0x3F9C];
	s0 =	simm.s32 @p1 $0x1  }
0x15: {  	[smem:$0x3FB9] =	sst s0;
	s0 =	simm.s32 @!p2 $0x0  }
0x16: {  	s3 =	sld [smem:$0x3FDB];
	s0 =	simm.s32 @p2 $0x1  }
0x17: {  	s4 =	simm.s32 $0x1BF5;
	[smem:$0x3FBB] =	sst s0  }
0x18: {  	s0 =	sld [smem:$0x3F9E];
	_ =	swait.ge [sflag:s4], $0x0  }
0x19: {  	s7 =	sld [smem:$0x3F9F]  }
0x1a: {  	s8 =	sadd.s32 $0xFFFFE003, lr  }
0x1b: {  	s9 =	sadd.s32 $0xFFFFFEF7, lr;
	s5 =	simm.s32 $0xFFFFFFFF;
	p2 =	slt.u32 s8, $0xFFFFF086  }
0x1c: {  	p1 =	slt.u32 s9, $0xF7A;
	s5 =	simm.s32 @!p2 $0x0  }
0x1d: {  	s5 =	simm.s32 @p1 $0x1;
	p0 =	seq.s32 s7, s2  }
0x1e: {  	s7 =	smul.u32 @!p0 $0xF7A, s2;
	p2 =	seq.s32 @!p0 s5, $0x0  }
0x1f: {  	s9 =	smul.u32 $0xF7A, s1;
	s8 =	simm.s32 @!p0 $0x1BF5;
	p2 =	por !p2, p0  }
0x20: {  	[sflag:s8] =	ssyncset.s32 @!p0 $0xFFFFF086;
	s6 =	sadd.s32 @!p0 s3, s7;
	s7 =	simm.s32 @!p0 $0x108  }
0x21: {  	s3 =	sadd.s32 s3, s9;
	s6 =	sadd.s32 @!p0 $0x88, s6;
	s7 =	simm.s32 @p2 $0x1082  }
0x22: {  	[simem:s7], [sflag:s8] =	dma.local @!p0 [hbm:s6], $0xF7A  }
0x23: {  	s9 =	sor.u32 $0xD0000000, s2;
	s6 =	simm.s32 $0x108;
	_ =	swait.ge @!p0 [sflag:s8], $0x0  }
0x24: {  	s3 =	sadd.s32 $0x88, s3;
	s6 =	simm.s32 @!p1 $0x1082;
	[sflag:s4] =	ssyncset.s32 $0xFFFFF086  }
0x25: {  	[simem:s6], [sflag:s4] =	dma.local [hbm:s3], $0xF7A  }
0x26: {  	[smem:$0x3F9F] =	sst s1;
	(tag) =	ssettag s2;
	_ =	strace s9  }
0x27: {  	s1 =	sld [smem:$0x3FAF]  }
0x28: {  	s2 =	sld [smem:$0x3FB0]  }
0x29: {  	s4 =	sld [smem:$0x3FB2]  }
0x2a: {  	p0 =	seq.s32 s5, $0x0;
	s5 =	sld [smem:$0x3FB3]  }
0x2b: {  	s6 =	sld [smem:$0x3FB4]  }
0x2c: {  	s7 =	sld [smem:$0x3FB5]  }
0x2d: {  	s3 =	simm.s32 $0x108;
	s8 =	sld [smem:$0x3FB6]  }
0x2e: {  	s3 =	simm.s32 @!p0 $0x1082;
	s9 =	sld [smem:$0x3FB7]  }
0x2f: {  	lr =	sadd.s32 s0, s3;
	s0 =	sld [smem:$0x3FAE]  }
0x30: {  	s3 =	sld [smem:$0x3FB1]  }
0x31: {  	[smem:$0x3FBA] =	sst s10  }
0x32: {  	s10 =	sld [smem:$0x3FB8];
	_ =	sdelay $0x3  }
0x33: {  	p0 =	seq.s32 s10, $0x1;
	s10 =	sld [smem:$0x3FBA];
	_ =	sdelay $0x3  }
0x34: {  	[smem:$0x3FBA] =	sst s10  }
0x35: {  	s10 =	sld [smem:$0x3FB9];
	_ =	sdelay $0x3  }
0x36: {  	p1 =	seq.s32 s10, $0x1;
	s10 =	sld [smem:$0x3FBA];
	_ =	sdelay $0x3  }
0x37: {  	[smem:$0x3FBA] =	sst s10  }
0x38: {  	s10 =	sld [smem:$0x3FBB]  }
0x39: {  	_ = 	snop;
	(pc) =	sbr.ind lr, $3  }
0x3a: {  	_ = 	snop  }
0x3b: {  	_ = 	snop  }
0x3c: {  	p2 =	seq.s32 s10, $0x1;
	s10 =	sld [smem:$0x3FBA]  }
0x3d: {  	_ =	shalt  }
0x3e: {  	_ =	shalt  }
0x3f: {  	_ =	shalt  }
0x40: {  	_ =	shalt  }
0x41: {  	_ =	shalt  }
0x42: {  	_ =	shalt  }
0x43: {  	_ =	shalt  }
0x44: {  	_ =	shalt  }
0x45: {  	_ =	shalt  }
0x46: {  	_ =	shalt  }
0x47: {  	_ =	shalt  }
0x48: {  	_ =	shalt  }
0x49: {  	_ =	shalt  }
0x4a: {  	_ =	shalt  }
0x4b: {  	_ =	shalt  }
0x4c: {  	_ =	shalt  }
0x4d: {  	_ =	shalt  }
0x4e: {  	_ =	shalt  }
0x4f: {  	_ =	shalt  }
0x50: {  	_ =	shalt  }
0x51: {  	_ =	shalt  }
0x52: {  	_ =	shalt  }
0x53: {  	_ =	shalt  }
0x54: {  	_ =	shalt  }
0x55: {  	_ =	shalt  }
0x56: {  	_ =	shalt  }
0x57: {  	_ =	shalt  }
0x58: {  	_ =	shalt  }
0x59: {  	_ =	shalt  }
0x5a: {  	_ =	shalt  }
0x5b: {  	_ =	shalt  }
0x5c: {  	_ =	shalt  }
0x5d: {  	_ =	shalt  }
0x5e: {  	_ =	shalt  }
0x5f: {  	_ =	shalt  }
0x60: {  	_ =	shalt  }
0x61: {  	_ =	shalt  }
0x62: {  	_ =	shalt  }
0x63: {  	_ =	shalt  }
0x64: {  	_ =	shalt  }
0x65: {  	_ =	shalt  }
0x66: {  	_ =	shalt  }
0x67: {  	_ =	shalt  }
0x68: {  	_ =	shalt  }
0x69: {  	_ =	shalt  }
0x6a: {  	_ =	shalt  }
0x6b: {  	_ =	shalt  }
0x6c: {  	_ =	shalt  }
0x6d: {  	_ =	shalt  }
0x6e: {  	_ =	shalt  }
0x6f: {  	_ =	shalt  }
0x70: {  	_ =	shalt  }
0x71: {  	_ =	shalt  }
0x72: {  	_ =	shalt  }
0x73: {  	_ =	shalt  }
0x74: {  	_ =	shalt  }
0x75: {  	_ =	shalt  }
0x76: {  	_ =	shalt  }
0x77: {  	_ =	shalt  }
0x78: {  	_ =	shalt  }
0x79: {  	_ =	shalt  }
0x7a: {  	_ =	shalt  }
0x7b: {  	_ =	shalt  }
0x7c: {  	_ =	shalt  }
0x7d: {  	_ =	shalt  }
0x7e: {  	_ =	shalt  }
0x7f: {  	_ =	shalt  }
0x80: {  	_ =	shalt  }
0x81: {  	_ =	shalt  }
0x82: {  	_ =	shalt  }
0x83: {  	_ =	shalt  }
0x84: {  	_ =	shalt  }
0x85: {  	_ =	shalt  }
0x86: {  	_ =	shalt  }
0x87: {  	_ =	shalt  }
.Lfunc_end0:
.L_simem_size_0:
called_computation_lowered:
.L_overlay_start_0:
0x88: {  	s2 =	sld [smem:$0x3FD9]  }
0x89: {  	s3 =	sld [smem:$0x3FFE];
	_ =	sdelay $0x1  }
0x8a: {  	s1 =	srdreg.scid  }
0x8b: {  	s0 =	sand.u32 $0x1, s1  }
0x8c: {  	s17 =	sshll.u32 s0, $0xA;
	s2 =	sadd.s32 s3, s2  }
0x8d: {  	s2 =	sadd.s32 s2, s17  }
0x8e: {  	[smem:$0x3FC6] =	sst s2  }
0x8f: {  	_ = 	snop  }
0x90: {  	s2 =	sld [smem:$0x3FC8]  }
0x91: {  	s18 =	sld [smem:$0x3FD0];
	(tm) =	ssettm $0x1  }
0x92: {  	s4 =	sld [smem:$0x3FFB];
	_ =	sdelay $0x3  }
0x93: {  	_ =	strace s4  }
0x94: {  	s4 =	sld [smem:$0x3FFC];
	_ =	sdelay $0x3  }
0x95: {  	_ =	strace s4  }
0x96: {  	s4 =	sld [smem:$0x3FFD];
	_ =	sdelay $0x3  }
0x97: {  	_ =	strace s4  }
0x98: {  	_ =	strace $0x8FFFFFFF  }
0x99: {  	s19 =	sld [smem:$0x3FDB];
	_ =	sdelay $0x1  }
0x9a: {  	s5 =	simm.s32 $_scs_section_size  }
0x9b: {  	s6 =	simm.s32 $_size__tile_overlayer_lowered;
	s7 =	simm.s32 $_tile_overlayer_lowered  }
0x9c: {  	s22 =	simm.s32 $0x1BFF;
	s21 =	sshll.u32 s7, $0x1;
	s4 =	sadd.s32 s5, s19  }
0x9d: {  	s8 =	simm.s32 $0x0;
	s20 =	sshll.u32 s6, $0x1;
	s6 =	sadd.s32 s21, s4  }
0x9e: {  	[timem:s8], [sflag:s22] =	dma.local [hbm:s6], s20  }
0x9f: {  	_ =	swait.ge [sflag:s22], s20  }
0xa0: {  	s5 =	ssub.s32 $0x0, s20;
	[sflag:s22] =	ssyncset.done $0x0  }
0xa1: {  	[sflag:s22] =	ssyncadd.s32 s5;
	_ =	sdelay $0x1  }
0xa2: {  	s23 =	simm.s32 $0x1B8B  }
0xa3: {  	_ =	swait.ge [sflag:s23], $0x1  }
0xa4: {  	[sflag:s23] =	ssyncset.done $0x0  }
0xa5: {  	s25 =	simm.s32 $0x1B8E;
	s24 =	sld [smem:$0x3FFE];
	[sflag:s23] =	ssyncadd.s32 $0xFFFFFFFF  }
0xa6: {  	s26 =	simm.s32 $execute0_lowered;
	[smem:$0x3FD2] =	sst s25  }
0xa7: {  	s6 =	sshll.u32 s26, $0x1;
	_ =	strace $0x80000046;
	[dreg:$0x1] =	wrdreg $0xFFFFFFFF  }
0xa8: {  	s28 =	simm.s32 $_size_execute0_lowered;
	s4 =	sadd.s32 s4, s6;
	[dreg:$0x0] =	wrdreg $0x0  }
0xa9: {  	s6 =	sshll.u32 s28, $0x1;
	[dreg:$0x2] =	wrdreg s4  }
0xaa: {  	[dreg:$0x3] =	wrdreg s6  }
0xab: {  	[dreg:$0x4] =	wrdreg $0xC0  }
0xac: {  	_ =	task [dreg:s8], $0x5FFFF  }
0xad: {  	[dreg:$0x1] =	wrdreg $0xFFFFFFFF  }
0xae: {  	[dreg:$0x0] =	wrdreg $0x60  }
0xaf: {  	[dreg:$0x2] =	wrdreg s24  }
0xb0: {  	[dreg:$0x3] =	wrdreg s2  }
0xb1: {  	[dreg:$0x4] =	wrdreg s18  }
0xb2: {  	[dreg:$0x5] =	wrdreg $0x9  }
0xb3: {  	_ =	task.clear_ibuf [dreg:s8], $0x6FFFF;
	_ =	strace $0x90000046  }
0xb4: {  	s29 =	simm.s32 $0x9;
	_ =	strace $0x80000048  }
0xb5: {  	_ =	swait.ge [sflag:s29], $0x1  }
0xb6: {  	[sflag:s29] =	ssyncadd.s32 $0xFFFFFFFF  }
0xb7: {  	_ =	strace $0x90000048  }
0xb8: {  	_ =	sfence  }
0xb9: {  	s30 =	sld [smem:$0x0];
	_ =	sdelay $0x2  }
0xba: {  	s31 =	sshll.u32 s1, $0xD;
	s1 =	sshrl.u32 s1, $0x2  }
0xbb: {  	s3 =	sand.u32 $0x4000, s31;
	s1 =	sadd.s32 s1, s30  }
0xbc: {  	s0 =	sor.u32 s3, s0;
	s1 =	sshll.u32 s1, $0x11  }
0xbd: {  	s0 =	sor.u32 s1, s0  }
0xbe: {  	s0 =	sadd.s32 $0x8F2B, s0  }
0xbf: {  	[sflag:s0] =	ssyncadd.remote.s32 $0x1  }
0xc0: {  	_ =	sfence.sel $0xFFFF  }
0xc1: {  	[dreg:$0x0] =	wrdreg $0xFFFFFFFF;
	(pc) =	sbr.abs _section_cstart, $3  }
0xc2: {  	[dreg:$0x1] =	wrdreg $0xFFFFFFFF  }
0xc3: {  	_ =	task.clear_ibuf [dreg:s8], $0x2FFFF;
	_ =	strace $0x9FFFFFFF  }
0xc4: {  	(tm) =	ssettm $0x7FFFFFFF  }
0xc5: {  	_ =	shalt  }
tec
execute0_lowered:
.L_overlay_start_1:
0x0: {  	(tag) =	ssettag $0x1  }
0x1: {  	s0 =	rddreg [dreg:$0x0]  }
0x2: {  	s2 =	rddreg [dreg:$0x1]  }
0x3: {  	s1 =	rddreg [dreg:$0x2]  }
0x4: {  	s3 =	srdreg.scid;
	s10 =	stileid.u32;
	s12 =	simm.s32 $0x2000  }
0x5: {  	s20 =	simm.s32 $0x6000;
	s29 =	simm.s32 $0x1;
	s30 =	simm.s32 $0xA000  }
0x6: {  	s11 =	simm.s32 $0xD800;
	s13 =	simm.s32 $0x2;
	s14 =	simm.s32 $0xE000  }
0x7: {  	s15 =	simm.s32 $0xE800;
	s16 =	simm.s32 $0xF000;
	s17 =	simm.s32 $0xF800  }
0x8: {  	s18 =	simm.s32 $0x10000;
	s19 =	simm.s32 $0x10800;
	s21 =	simm.s32 $0x11000  }
0x9: {  	s22 =	simm.s32 $0x11800;
	s23 =	simm.s32 $0x3;
	s28 =	simm.s32 $0x0  }
0xa: {  	s4 =	sand.u32 $0x1, s3;
	s5 =	sshll.u32 s10, $0x1;
	s3 =	simm.s32 $0x0  }
0xb: {  	s24 =	sshll.u32 s10, $0x12;
	s5 =	sor.u32 s4, s5;
	s6 =	ssub.s32 $0x2, s4  }
0xc: {  	[smem:$0x7FF] =	sst s3;
	s25 =	sshll.u32 s4, $0x11;
	s4 =	simm.s32 $0xC000  }
0xd: {  	s7 =	sshll.u32 s5, $0xA;
	s8 =	sshrl.u32 s6, $0x1;
	_ =	strace $0x80000047  }
0xe: {  	s9 =	sshll.u32 s5, $0x11;
	s5 =	sadd.s32 $0x100, s2;
	s0 =	sadd.s32 s7, s0  }
0xf: {  	s8 =	ssub.s32 s6, s8;
	s6 =	sadd.s32 $0x200, s2;
	s7 =	sadd.s32 $0x300, s2  }
.Ltmp0:
0x10: {  	s9 =	sadd.s32 s9, s1;
	s0 =	sadd.s32 $0x400, s0;
	(pc) =	sbr.rel .LBB2_1-.Ltmp0, $4  }
0x11: {  	s26 =	sadd.s32 $0x1F800, s9;
	s31 =	smax.u32 s8, $0x1;
	[dreg:$0x4] =	wrdreg s0  }
0x12: {  	v2 =	vlaneseq.u32;
	s8 =	simm.s32 $0xC800;
	s9 =	simm.s32 $0xD000;
	[dreg:$0x5] =	wrdreg s26  }
0x13: {  	vm0 =	vmmov $0xffff;
	v1 =	vshrl.u32 v2, $0x3;
	s0 =	sadd.s32 s24, s1;
	[dreg:$0x6] =	wrdreg s31;
	s24 =	simm.s32 $0x4  }
0x14: {  	v0 =	vand.u32 $0x7, v2;
	v2 =	vor.u32 $0x8, v2;
	v1 =	vmul.u32 $0x8, v1;
	s26 =	simm.s32 $0x6;
	s10 =	sadd.s32 s25, s0;
	s25 =	simm.s32 $0x5  }
.LBB2_4:
0x15: {  	_ =	swait.ge [sflag:s24], $0x4000  }
0x16: {  	[sflag:s24] =	ssyncset.done $0x0  }
0x17: {  	s1 =	simm.s32 $0x7;
	s0 =	rddreg [dreg:$0x5];
	[sflag:s24] =	ssyncadd.s32 $0xFFFFC000  }
0x18: {  	[hbm4b:s0+s3] =	stream.linear.scatter [tilespmem:s14], [sflag:$0x8], $0x4000, $0x38;
	[tilespmem:$0x12000] =	vst v63  }
0x19: {  	_ =	swait.ge [sflag:s1], $0x4000  }
0x1a: {  	[sflag:s1] =	ssyncset.done $0x0  }
0x1b: {  	[sflag:s1] =	ssyncadd.s32 $0xFFFFC000;
	s1 =	simm.s32 $0x8  }
0x1c: {  	_ =	swait.ge [sflag:s1], $0x4000  }
0x1d: {  	s28 =	rddreg [dreg:$0x7]  }
0x1e: {  	s31 =	rddreg [dreg:$0x6];
	s28 =	sadd.s32 $0x1, s28  }
0x1f: {  	p0 =	sne.s32 s28, s31  }
.Ltmp1:
0x20: {  	_ = 	snop;
	(pc) =	sbr.rel @!p0 .LBB2_5-.Ltmp1, $3  }
0x21: {  	_ =	sdelay $0x1  }
0x22: {  	[sflag:s1] =	ssyncset.done $0x0  }
0x23: {  	[sflag:s1] =	ssyncadd.s32 $0xFFFFC000  }
.LBB2_1:
0x24: {  	[dreg:$0x7] =	wrdreg s28  }
0x25: {  	s0 =	rddreg [dreg:$0x4];
	s1 =	simm.s32 $0x9  }
0x26: {  	[tilespmem:s3], [sflag:$0x9] =	stream.linear.gather [hbm4b:s0+s3], $0x2000, $0x38;
	[tilespmem:$0x12000] =	vst v63  }
0x27: {  	_ =	swait.ge [sflag:s1], $0x2000  }
0x28: {  	[sflag:s1] =	ssyncset.done $0x0  }
0x29: {  	[sflag:s1] =	ssyncadd.s32 $0xFFFFE000  }
0x2a: {  	v3 =	vld [tilespmem:$0x0];
	_ =	sdelay $0x4  }
0x2b: {  	v4 =	vshll.u32 v3, $0x3  }
0x2c: {  	v3 =	vand.u32 $0x7, v3;
	v4 =	vand.u32 $0xFFFFFFC0, v4  }
0x2d: {  	v3 =	vor.u32 v3, v4  }
0x2e: {  	v4 =	vperm.xlane v3, v0;
	_ =	sdelay $0x1  }
0x2f: {  	v4 =	vadd.s32 v1, v4;
	_ =	sdelay $0x4  }
0x30: {  	[tilespmem:s12], [sflag:$0x1] =	stream.indirect_vreg.gather [hbm4b:s2+s3], $0x80, v4, vm0, $0xb8;
	[tilespmem:$0x12000] =	vst v63  }
0x31: {  	s1 =	simm.s32 $0x2800;
	v3 =	vperm.xlane v3, v2  }
0x32: {  	[tilespmem:s1], [sflag:$0x1] =	stream.indirect_vreg.gather [hbm4b:s5+s3], $0x80, v4, vm0, $0xb8;
	[tilespmem:$0x12000] =	vst v63  }
0x33: {  	v3 =	vadd.s32 v1, v3;
	s1 =	simm.s32 $0x3000  }
0x34: {  	[tilespmem:s1], [sflag:$0x1] =	stream.indirect_vreg.gather [hbm4b:s6+s3], $0x80, v4, vm0, $0xb8;
	[tilespmem:$0x12000] =	vst v63  }
0x35: {  	s1 =	simm.s32 $0x3800  }
0x36: {  	[tilespmem:s1], [sflag:$0x1] =	stream.indirect_vreg.gather [hbm4b:s7+s3], $0x80, v4, vm0, $0xb8;
	[tilespmem:$0x12000] =	vst v63  }
0x37: {  	s1 =	simm.s32 $0x4000  }
0x38: {  	[tilespmem:s1], [sflag:$0x1] =	stream.indirect_vreg.gather [hbm4b:s2+s3], $0x80, v3, vm0, $0xb8;
	[tilespmem:$0x12000] =	vst v63  }
0x39: {  	s1 =	simm.s32 $0x4800  }
0x3a: {  	[tilespmem:s1], [sflag:$0x1] =	stream.indirect_vreg.gather [hbm4b:s5+s3], $0x80, v3, vm0, $0xb8;
	[tilespmem:$0x12000] =	vst v63  }
0x3b: {  	s1 =	simm.s32 $0x5000  }
0x3c: {  	[tilespmem:s1], [sflag:$0x1] =	stream.indirect_vreg.gather [hbm4b:s6+s3], $0x80, v3, vm0, $0xb8;
	[tilespmem:$0x12000] =	vst v63  }
0x3d: {  	s1 =	simm.s32 $0x5800  }
0x3e: {  	[tilespmem:s1], [sflag:$0x1] =	stream.indirect_vreg.gather [hbm4b:s7+s3], $0x80, v3, vm0, $0xb8;
	[tilespmem:$0x12000] =	vst v63  }
0x3f: {  	v3 =	vld [tilespmem:$0x80];
	_ =	sdelay $0x4  }
0x40: {  	v63 =	vshll.u32 v3, $0x3  }
0x41: {  	v3 =	vand.u32 $0x7, v3;
	v4 =	vand.u32 $0xFFFFFFC0, v63  }
0x42: {  	v3 =	vor.u32 v3, v4  }
0x43: {  	v4 =	vperm.xlane v3, v0;
	_ =	sdelay $0x1  }
0x44: {  	v4 =	vadd.s32 v1, v4;
	_ =	sdelay $0x4  }
0x45: {  	[tilespmem:s20], [sflag:$0x2] =	stream.indirect_vreg.gather [hbm4b:s2+s3], $0x80, v4, vm0, $0xb8;
	[tilespmem:$0x12000] =	vst v63  }
0x46: {  	s1 =	simm.s32 $0x6800;
	v3 =	vperm.xlane v3, v2  }
0x47: {  	[tilespmem:s1], [sflag:$0x2] =	stream.indirect_vreg.gather [hbm4b:s5+s3], $0x80, v4, vm0, $0xb8;
	[tilespmem:$0x12000] =	vst v63  }
0x48: {  	v3 =	vadd.s32 v1, v3;
	s1 =	simm.s32 $0x7000  }
0x49: {  	[tilespmem:s1], [sflag:$0x2] =	stream.indirect_vreg.gather [hbm4b:s6+s3], $0x80, v4, vm0, $0xb8;
	[tilespmem:$0x12000] =	vst v63  }
0x4a: {  	s1 =	simm.s32 $0x7800  }
0x4b: {  	[tilespmem:s1], [sflag:$0x2] =	stream.indirect_vreg.gather [hbm4b:s7+s3], $0x80, v4, vm0, $0xb8;
	[tilespmem:$0x12000] =	vst v63  }
0x4c: {  	s1 =	simm.s32 $0x8000  }
0x4d: {  	[tilespmem:s1], [sflag:$0x2] =	stream.indirect_vreg.gather [hbm4b:s2+s3], $0x80, v3, vm0, $0xb8;
	[tilespmem:$0x12000] =	vst v63  }
0x4e: {  	s1 =	simm.s32 $0x8800  }
0x4f: {  	[tilespmem:s1], [sflag:$0x2] =	stream.indirect_vreg.gather [hbm4b:s5+s3], $0x80, v3, vm0, $0xb8;
	[tilespmem:$0x12000] =	vst v63  }
0x50: {  	s1 =	simm.s32 $0x9000  }
0x51: {  	[tilespmem:s1], [sflag:$0x2] =	stream.indirect_vreg.gather [hbm4b:s6+s3], $0x80, v3, vm0, $0xb8;
	[tilespmem:$0x12000] =	vst v63  }
0x52: {  	s28 =	simm.s32 $0x180;
	s31 =	simm.s32 $0x0;
	s1 =	simm.s32 $0x9800  }
0x53: {  	[tilespmem:s1], [sflag:$0x2] =	stream.indirect_vreg.gather [hbm4b:s7+s3], $0x80, v3, vm0, $0xb8;
	[tilespmem:$0x12000] =	vst v63  }
.LBB2_2:
0x54: {  	_ =	swait.ge [sflag:s29], $0x4000  }
0x55: {  	p0 =	seq.s32 s31, $0x0;
	[sflag:s29] =	ssyncset.done $0x0  }
0x56: {  	s0 =	sadd.s32 s31, s10;
	s1 =	simm.s32 @!p0 $0x7;
	[sflag:s29] =	ssyncadd.s32 $0xFFFFC000  }
0x57: {  	[hbm4b:s0+s3] =	stream.linear.scatter [tilespmem:s12], [sflag:$0x5], $0x4000, $0x38;
	[tilespmem:$0x12000] =	vst v63  }
0x58: {  	_ =	swait.ge @!p0 [sflag:s1], $0x4000  }
0x59: {  	[sflag:s1] =	ssyncset.done @!p0 $0x0  }
0x5a: {  	[sflag:s1] =	ssyncadd.s32 @!p0 $0xFFFFC000  }
0x5b: {  	v3 =	vld [tilespmem:s28+$0xFFFFFF80];
	_ =	sdelay $0x4  }
0x5c: {  	v4 =	vshll.u32 v3, $0x3  }
0x5d: {  	v3 =	vand.u32 $0x7, v3;
	v4 =	vand.u32 $0xFFFFFFC0, v4  }
0x5e: {  	v3 =	vor.u32 v3, v4  }
0x5f: {  	v4 =	vperm.xlane v3, v0;
	_ =	sdelay $0x1  }
0x60: {  	v4 =	vadd.s32 v1, v4;
	_ =	sdelay $0x4  }
0x61: {  	[tilespmem:s30], [sflag:$0x3] =	stream.indirect_vreg.gather [hbm4b:s2+s3], $0x80, v4, vm0, $0xb8;
	[tilespmem:$0x12000] =	vst v63  }
0x62: {  	s1 =	simm.s32 $0xA800;
	v3 =	vperm.xlane v3, v2  }
0x63: {  	[tilespmem:s1], [sflag:$0x3] =	stream.indirect_vreg.gather [hbm4b:s5+s3], $0x80, v4, vm0, $0xb8;
	[tilespmem:$0x12000] =	vst v63  }
0x64: {  	v3 =	vadd.s32 v1, v3;
	s1 =	simm.s32 $0xB000  }
0x65: {  	[tilespmem:s1], [sflag:$0x3] =	stream.indirect_vreg.gather [hbm4b:s6+s3], $0x80, v4, vm0, $0xb8;
	[tilespmem:$0x12000] =	vst v63  }
0x66: {  	s1 =	simm.s32 $0xB800  }
0x67: {  	[tilespmem:s1], [sflag:$0x3] =	stream.indirect_vreg.gather [hbm4b:s7+s3], $0x80, v4, vm0, $0xb8;
	[tilespmem:$0x12000] =	vst v63  }
0x68: {  	_ = 	snop  }
0x69: {  	[tilespmem:s4], [sflag:$0x3] =	stream.indirect_vreg.gather [hbm4b:s2+s3], $0x80, v3, vm0, $0xb8;
	[tilespmem:$0x12000] =	vst v63  }
0x6a: {  	_ = 	snop  }
0x6b: {  	[tilespmem:s8], [sflag:$0x3] =	stream.indirect_vreg.gather [hbm4b:s5+s3], $0x80, v3, vm0, $0xb8;
	[tilespmem:$0x12000] =	vst v63  }
0x6c: {  	_ = 	snop  }
0x6d: {  	[tilespmem:s9], [sflag:$0x3] =	stream.indirect_vreg.gather [hbm4b:s6+s3], $0x80, v3, vm0, $0xb8;
	[tilespmem:$0x12000] =	vst v63  }
0x6e: {  	_ = 	snop  }
0x6f: {  	[tilespmem:s11], [sflag:$0x3] =	stream.indirect_vreg.gather [hbm4b:s7+s3], $0x80, v3, vm0, $0xb8;
	[tilespmem:$0x12000] =	vst v63  }
0x70: {  	_ =	swait.ge [sflag:s13], $0x4000  }
0x71: {  	[sflag:s13] =	ssyncset.done $0x0  }
0x72: {  	s1 =	sadd.s32 $0x800, s0;
	[sflag:s13] =	ssyncadd.s32 $0xFFFFC000  }
0x73: {  	[hbm4b:s1+s3] =	stream.linear.scatter [tilespmem:s20], [sflag:$0x6], $0x4000, $0x38;
	[tilespmem:$0x12000] =	vst v63  }
0x74: {  	s1 =	simm.s32 @!p0 $0x8  }
0x75: {  	_ =	swait.ge @!p0 [sflag:s1], $0x4000  }
0x76: {  	[sflag:s1] =	ssyncset.done @!p0 $0x0  }
0x77: {  	[sflag:s1] =	ssyncadd.s32 @!p0 $0xFFFFC000  }
0x78: {  	v3 =	vld [tilespmem:s28+$0x0];
	_ =	sdelay $0x4  }
0x79: {  	v63 =	vshll.u32 v3, $0x3  }
0x7a: {  	v3 =	vand.u32 $0x7, v3;
	v4 =	vand.u32 $0xFFFFFFC0, v63  }
0x7b: {  	v3 =	vor.u32 v3, v4  }
0x7c: {  	v4 =	vperm.xlane v3, v0;
	_ =	sdelay $0x1  }
0x7d: {  	v4 =	vadd.s32 v1, v4;
	_ =	sdelay $0x4  }
0x7e: {  	[tilespmem:s14], [sflag:$0x4] =	stream.indirect_vreg.gather [hbm4b:s2+s3], $0x80, v4, vm0, $0xb8;
	[tilespmem:$0x12000] =	vst v63  }
0x7f: {  	v3 =	vperm.xlane v3, v2  }
0x80: {  	[tilespmem:s15], [sflag:$0x4] =	stream.indirect_vreg.gather [hbm4b:s5+s3], $0x80, v4, vm0, $0xb8;
	[tilespmem:$0x12000] =	vst v63  }
0x81: {  	v3 =	vadd.s32 v1, v3  }
0x82: {  	[tilespmem:s16], [sflag:$0x4] =	stream.indirect_vreg.gather [hbm4b:s6+s3], $0x80, v4, vm0, $0xb8;
	[tilespmem:$0x12000] =	vst v63  }
0x83: {  	_ = 	snop  }
0x84: {  	[tilespmem:s17], [sflag:$0x4] =	stream.indirect_vreg.gather [hbm4b:s7+s3], $0x80, v4, vm0, $0xb8;
	[tilespmem:$0x12000] =	vst v63  }
0x85: {  	_ = 	snop  }
0x86: {  	[tilespmem:s18], [sflag:$0x4] =	stream.indirect_vreg.gather [hbm4b:s2+s3], $0x80, v3, vm0, $0xb8;
	[tilespmem:$0x12000] =	vst v63  }
0x87: {  	_ = 	snop  }
0x88: {  	[tilespmem:s19], [sflag:$0x4] =	stream.indirect_vreg.gather [hbm4b:s5+s3], $0x80, v3, vm0, $0xb8;
	[tilespmem:$0x12000] =	vst v63  }
0x89: {  	_ = 	snop  }
0x8a: {  	[tilespmem:s21], [sflag:$0x4] =	stream.indirect_vreg.gather [hbm4b:s6+s3], $0x80, v3, vm0, $0xb8;
	[tilespmem:$0x12000] =	vst v63  }
0x8b: {  	p0 =	seq.s32 s31, $0x1E000  }
0x8c: {  	[tilespmem:s22], [sflag:$0x4] =	stream.indirect_vreg.gather [hbm4b:s7+s3], $0x80, v3, vm0, $0xb8;
	[tilespmem:$0x12000] =	vst v63  }
.Ltmp2:
0x8d: {  	_ = 	snop;
	(pc) =	sbr.rel @p0 .LBB2_4-.Ltmp2, $4  }
0x8e: {  	_ =	swait.ge [sflag:s23], $0x4000  }
0x8f: {  	[sflag:s23] =	ssyncset.done $0x0  }
0x90: {  	s1 =	sadd.s32 $0x1000, s0;
	[sflag:s23] =	ssyncadd.s32 $0xFFFFC000  }
0x91: {  	[hbm4b:s1+s3] =	stream.linear.scatter [tilespmem:s30], [sflag:$0x7], $0x4000, $0x38;
	[tilespmem:$0x12000] =	vst v63  }
0x92: {  	_ =	swait.ge [sflag:s25], $0x4000  }
0x93: {  	[sflag:s25] =	ssyncset.done $0x0  }
0x94: {  	[sflag:s25] =	ssyncadd.s32 $0xFFFFC000  }
0x95: {  	v3 =	vld [tilespmem:s28+$0x80];
	_ =	sdelay $0x4  }
0x96: {  	v4 =	vshll.u32 v3, $0x3  }
0x97: {  	v3 =	vand.u32 $0x7, v3;
	v4 =	vand.u32 $0xFFFFFFC0, v4  }
0x98: {  	v3 =	vor.u32 v3, v4  }
0x99: {  	v4 =	vperm.xlane v3, v0;
	_ =	sdelay $0x1  }
0x9a: {  	v4 =	vadd.s32 v1, v4;
	_ =	sdelay $0x4  }
0x9b: {  	[tilespmem:s12], [sflag:$0x1] =	stream.indirect_vreg.gather [hbm4b:s2+s3], $0x80, v4, vm0, $0xb8;
	[tilespmem:$0x12000] =	vst v63  }
0x9c: {  	s1 =	simm.s32 $0x2800;
	v3 =	vperm.xlane v3, v2  }
0x9d: {  	[tilespmem:s1], [sflag:$0x1] =	stream.indirect_vreg.gather [hbm4b:s5+s3], $0x80, v4, vm0, $0xb8;
	[tilespmem:$0x12000] =	vst v63  }
0x9e: {  	v3 =	vadd.s32 v1, v3;
	s1 =	simm.s32 $0x3000  }
0x9f: {  	[tilespmem:s1], [sflag:$0x1] =	stream.indirect_vreg.gather [hbm4b:s6+s3], $0x80, v4, vm0, $0xb8;
	[tilespmem:$0x12000] =	vst v63  }
0xa0: {  	s1 =	simm.s32 $0x3800  }
0xa1: {  	[tilespmem:s1], [sflag:$0x1] =	stream.indirect_vreg.gather [hbm4b:s7+s3], $0x80, v4, vm0, $0xb8;
	[tilespmem:$0x12000] =	vst v63  }
0xa2: {  	s1 =	simm.s32 $0x4000  }
0xa3: {  	[tilespmem:s1], [sflag:$0x1] =	stream.indirect_vreg.gather [hbm4b:s2+s3], $0x80, v3, vm0, $0xb8;
	[tilespmem:$0x12000] =	vst v63  }
0xa4: {  	s1 =	simm.s32 $0x4800  }
0xa5: {  	[tilespmem:s1], [sflag:$0x1] =	stream.indirect_vreg.gather [hbm4b:s5+s3], $0x80, v3, vm0, $0xb8;
	[tilespmem:$0x12000] =	vst v63  }
0xa6: {  	s1 =	simm.s32 $0x5000  }
0xa7: {  	[tilespmem:s1], [sflag:$0x1] =	stream.indirect_vreg.gather [hbm4b:s6+s3], $0x80, v3, vm0, $0xb8;
	[tilespmem:$0x12000] =	vst v63  }
0xa8: {  	s1 =	simm.s32 $0x5800  }
0xa9: {  	[tilespmem:s1], [sflag:$0x1] =	stream.indirect_vreg.gather [hbm4b:s7+s3], $0x80, v3, vm0, $0xb8;
	[tilespmem:$0x12000] =	vst v63  }
0xaa: {  	_ =	swait.ge [sflag:s24], $0x4000  }
0xab: {  	[sflag:s24] =	ssyncset.done $0x0  }
0xac: {  	s0 =	sadd.s32 $0x1800, s0;
	[sflag:s24] =	ssyncadd.s32 $0xFFFFC000  }
0xad: {  	[hbm4b:s0+s3] =	stream.linear.scatter [tilespmem:s14], [sflag:$0x8], $0x4000, $0x38;
	[tilespmem:$0x12000] =	vst v63  }
0xae: {  	_ =	swait.ge [sflag:s26], $0x4000  }
0xaf: {  	[sflag:s26] =	ssyncset.done $0x0  }
0xb0: {  	[sflag:s26] =	ssyncadd.s32 $0xFFFFC000  }
0xb1: {  	v3 =	vld [tilespmem:s28+$0x100];
	_ =	sdelay $0x4  }
0xb2: {  	v63 =	vshll.u32 v3, $0x3  }
0xb3: {  	v3 =	vand.u32 $0x7, v3;
	v4 =	vand.u32 $0xFFFFFFC0, v63  }
0xb4: {  	v3 =	vor.u32 v3, v4  }
0xb5: {  	v4 =	vperm.xlane v3, v0;
	_ =	sdelay $0x1  }
0xb6: {  	v4 =	vadd.s32 v1, v4;
	_ =	sdelay $0x4  }
0xb7: {  	[tilespmem:s20], [sflag:$0x2] =	stream.indirect_vreg.gather [hbm4b:s2+s3], $0x80, v4, vm0, $0xb8;
	[tilespmem:$0x12000] =	vst v63  }
0xb8: {  	s1 =	simm.s32 $0x6800;
	v3 =	vperm.xlane v3, v2  }
0xb9: {  	[tilespmem:s1], [sflag:$0x2] =	stream.indirect_vreg.gather [hbm4b:s5+s3], $0x80, v4, vm0, $0xb8;
	[tilespmem:$0x12000] =	vst v63  }
0xba: {  	v3 =	vadd.s32 v1, v3;
	s1 =	simm.s32 $0x7000  }
0xbb: {  	[tilespmem:s1], [sflag:$0x2] =	stream.indirect_vreg.gather [hbm4b:s6+s3], $0x80, v4, vm0, $0xb8;
	[tilespmem:$0x12000] =	vst v63  }
0xbc: {  	s1 =	simm.s32 $0x7800  }
0xbd: {  	[tilespmem:s1], [sflag:$0x2] =	stream.indirect_vreg.gather [hbm4b:s7+s3], $0x80, v4, vm0, $0xb8;
	[tilespmem:$0x12000] =	vst v63  }
0xbe: {  	s1 =	simm.s32 $0x8000  }
0xbf: {  	[tilespmem:s1], [sflag:$0x2] =	stream.indirect_vreg.gather [hbm4b:s2+s3], $0x80, v3, vm0, $0xb8;
	[tilespmem:$0x12000] =	vst v63  }
0xc0: {  	s1 =	simm.s32 $0x8800  }
0xc1: {  	[tilespmem:s1], [sflag:$0x2] =	stream.indirect_vreg.gather [hbm4b:s5+s3], $0x80, v3, vm0, $0xb8;
	[tilespmem:$0x12000] =	vst v63  }
.Ltmp3:
0xc2: {  	_ = 	snop;
	(pc) =	sbr.rel .LBB2_2-.Ltmp3, $4  }
0xc3: {  	s1 =	simm.s32 $0x9000  }
0xc4: {  	[tilespmem:s1], [sflag:$0x2] =	stream.indirect_vreg.gather [hbm4b:s6+s3], $0x80, v3, vm0, $0xb8;
	[tilespmem:$0x12000] =	vst v63  }
0xc5: {  	s31 =	sadd.s32 $0x2000, s31;
	s28 =	sadd.s32 $0x200, s28;
	s1 =	simm.s32 $0x9800  }
0xc6: {  	[tilespmem:s1], [sflag:$0x2] =	stream.indirect_vreg.gather [hbm4b:s7+s3], $0x80, v3, vm0, $0xb8;
	[tilespmem:$0x12000] =	vst v63  }
.LBB2_5:
0xc7: {  	_ =	sfence.sel $0x180000  }
0xc8: {  	[bflag:$0x0] =	sbarrier.arrive $0xFFFF  }
0xc9: {  	_ =	strace $0x90000047  }
0xca: {  	s0 =	stileid.u32;
	[bflag:$0x2] =	sbarrier.arrive $0xFFFF  }
0xcb: {  	p0 =	sne.s32 s0, $0x0;
	s0 =	rddreg [dreg:$0x3]  }
0xcc: {  	s0 =	sadd.s32 @!p0 $0x100000, s0  }
0xcd: {  	[sflag:s0] =	ssyncadd.tile.s32 @!p0 $0x1;
	_ =	shalt  }
.Lfunc_end2:
_tile_overlayer_lowered:
.L_overlay_start_2:
0xce: {  	(tag) =	ssettag $0x2  }
0xcf: {  	s0 =	rddreg [dreg:$0x0];
	s2 =	stileid.u32  }
0xd0: {  	s1 =	rddreg [dreg:$0x1];
	p0 =	sne.s32 s2, $0x0  }
0xd1: {  	s3 =	rddreg [dreg:$0x2];
	[bflag:$0x3] =	sbarrier.arrive $0xFFFF;
	s2 =	simm.s32 @!p0 $0x1C09  }
0xd2: {  	[timem:s3], [sflag:s2] =	dma.local @!p0 [hbm:s0], s1  }
0xd3: {  	s0 =	simm.s32 @!p0 $0x9  }
0xd4: {  	_ =	swait.ge @!p0 [sflag:s0], s1  }
0xd5: {  	s1 =	ssub.s32 @!p0 $0x0, s1;
	[sflag:s0] =	ssyncset.done @!p0 $0x0  }
0xd6: {  	[sflag:s0] =	ssyncadd.s32 @!p0 s1  }
0xd7: {  	[bflag:$0x3] =	sbarrier.arrive $0xFFFF  }
0xd8: {  	_ =	shalt  }

</sc_bundles>
